<compile_context>
chip_gen: v7x
topology: tpu7x:2x2x1
jax: 0.10.2.dev20260603
libtpu: 0.0.44.dev20260713+nightly
codegen_flags: <defaults>
</compile_context>

<pallas_src>
import jax
import jax.numpy as jnp
from jax import lax
from jax.experimental import pallas as pl
from jax.experimental.pallas import tpu as pltpu
from jax.experimental.pallas import tpu_sc as plsc

N = 10000
E = 320000
D = 128
H = 128
C = 16

NC = 2
NS = 16
NW = NC * NS
CH = 64
SBC = 8
TOT_CHUNK = E // CH
TOT_SB = TOT_CHUNK // SBC
N_ACC = 10240
ROWS_PER_TILE = N_ACC // NS

_mesh = plsc.VectorSubcoreMesh(
    core_axis_name="c", subcore_axis_name="s", num_cores=NC, num_subcores=NS)

_f32 = jnp.float32
_i32 = jnp.int32


def _my_range(c, s):
    wid = c * NS + s
    base_sb = 20 * wid - jnp.maximum(wid - 17, 0)
    n_sb = jnp.where(wid < 17, 20, 19)
    return base_sb, n_sb


def _hist_body(row2, out_hbm, acc1d, idxb, ones_buf, zbuf):
    c = lax.axis_index("c")
    s = lax.axis_index("s")
    zero16 = jnp.zeros((16,), _f32)
    one16 = jnp.ones((16,), _f32)

    for k in range(CH // 16):
        ones_buf[pl.ds(k * 16, 16)] = one16

    def _zb(k, _):
        zbuf[pl.ds(k * 16, 16)] = zero16
        return 0
    lax.fori_loop(0, ROWS_PER_TILE // 16, _zb, 0)

    pltpu.sync_copy(zbuf, acc1d.at[pl.ds(s * ROWS_PER_TILE, ROWS_PER_TILE)])

    base_sb, n_sb = _my_range(c, s)
    base_ch = base_sb * SBC
    wid = c * NS + s
    pltpu.sync_copy(row2.at[pl.ds(base_ch, 152)], idxb.at[pl.ds(0, 152)])

    @pl.when(wid < 17)
    def _():
        pltpu.sync_copy(row2.at[pl.ds(base_ch + 152, 8)],
                        idxb.at[pl.ds(152, 8)])
    plsc.subcore_barrier()

    def _sc(j, _):
        pltpu.sync_copy(ones_buf, acc1d.at[idxb.at[j]], add=True)
        return 0
    lax.fori_loop(0, n_sb * SBC, _sc, 0)

    plsc.subcore_barrier()
    pltpu.sync_copy(acc1d.at[pl.ds(s * ROWS_PER_TILE, ROWS_PER_TILE)],
                    out_hbm.at[pl.ds(c * N_ACC + s * ROWS_PER_TILE, ROWS_PER_TILE)])


_hist = pl.kernel(
    _hist_body,
    out_type=jax.ShapeDtypeStruct((NC * N_ACC,), _f32),
    mesh=_mesh,
    scratch_types=[
        pltpu.VMEM_SHARED((N_ACC,), _f32),
        pltpu.VMEM((160, CH), _i32),
        pltpu.VMEM((CH,), _f32),
        pltpu.VMEM((ROWS_PER_TILE,), _f32),
    ],
)


def _agg_body(g_hbm, row2, col2, out_hbm, acc, idxr, idxc, db0, db1, gs0, gs1):
    c = lax.axis_index("c")
    s = lax.axis_index("s")
    zero16 = jnp.zeros((16,), _f32)

    def _zb(r, _):
        for k in range(8):
            db0[r, pl.ds(k * 16, 16)] = zero16
        return 0
    lax.fori_loop(0, CH, _zb, 0)
    base = s * ROWS_PER_TILE

    def _za(k, _):
        pltpu.sync_copy(db0, acc.at[pl.ds(base + k * CH, CH)])
        return 0
    lax.fori_loop(0, ROWS_PER_TILE // CH, _za, 0)

    plsc.subcore_barrier()

    base_sb, n_sb = _my_range(c, s)

    def _sb(sb, _):
        start = (base_sb + sb) * SBC
        pltpu.sync_copy(row2.at[pl.ds(start, SBC)], idxr)
        pltpu.sync_copy(col2.at[pl.ds(start, SBC)], idxc)
        pltpu.async_copy(g_hbm.at[idxc.at[0]], db0, gs0)

        def _step(p, _):
            j0 = p * 2
            pltpu.async_copy(g_hbm.at[idxc.at[j0 + 1]], db1, gs1)
            pltpu.make_async_copy(g_hbm.at[idxc.at[j0]], db0, gs0).wait()
            pltpu.sync_copy(db0, acc.at[idxr.at[j0]], add=True)

            @pl.when(p + 1 < SBC // 2)
            def _():
                pltpu.async_copy(g_hbm.at[idxc.at[j0 + 2]], db0, gs0)
            pltpu.make_async_copy(g_hbm.at[idxc.at[j0 + 1]], db1, gs1).wait()
            pltpu.sync_copy(db1, acc.at[idxr.at[j0 + 1]], add=True)
            return 0
        lax.fori_loop(0, SBC // 2, _step, 0)
        return 0
    lax.fori_loop(0, n_sb, _sb, 0)

    plsc.subcore_barrier()
    pltpu.sync_copy(acc.at[pl.ds(base, ROWS_PER_TILE)],
                    out_hbm.at[c, pl.ds(base, ROWS_PER_TILE)])


_agg = pl.kernel(
    _agg_body,
    out_type=jax.ShapeDtypeStruct((NC, N_ACC, 128), _f32),
    mesh=_mesh,
    scratch_types=[
        pltpu.VMEM_SHARED((N_ACC, 128), _f32),
        pltpu.VMEM((SBC, CH), _i32),
        pltpu.VMEM((SBC, CH), _i32),
        pltpu.VMEM((CH, 128), _f32),
        pltpu.VMEM((CH, 128), _f32),
        pltpu.SemaphoreType.DMA,
        pltpu.SemaphoreType.DMA,
    ],
)


_B = 2000


def _tc1_body(x_ref, c0_ref, c1_ref, w_ref, g_ref, dis_ref):
    deg = c0_ref[0] + c1_ref[0] + 5.0
    dis = lax.rsqrt(deg)
    h = jnp.dot(x_ref[...], w_ref[...], preferred_element_type=_f32)
    g_ref[...] = h * dis
    dis_ref[...] = dis


def _tc2_body(a_ref, b_ref, g1_ref, dis_ref, w_ref, g2_ref):
    x2 = jnp.maximum(
        dis_ref[...] * (a_ref[0] + b_ref[0] + 5.0 * g1_ref[...]), 0.0)
    h2 = jnp.dot(x2, w_ref[...], preferred_element_type=_f32)
    g2_ref[...] = h2 * dis_ref[...]


def _tc3_body(a_ref, b_ref, g2_ref, dis_ref, w_ref, b3_ref, o_ref):
    hf = dis_ref[...] * (a_ref[0] + b_ref[0] + 5.0 * g2_ref[...])
    o_ref[...] = jnp.dot(hf, w_ref[...], preferred_element_type=_f32) + b3_ref[...]


def _row_blk(last):
    return pl.BlockSpec((_B, last), lambda i: (i, 0))


def _plane_blk(plane, last):
    return pl.BlockSpec((1, _B, last), lambda i, p=plane: (p, i, 0))


def _full(shape):
    return pl.BlockSpec(shape, lambda i: tuple(0 for _ in shape))


_tc1 = pl.pallas_call(
    _tc1_body,
    grid=(N // _B,),
    in_specs=[_row_blk(D), _plane_blk(0, 1), _plane_blk(1, 1), _full((D, H))],
    out_specs=[_row_blk(H), _row_blk(1)],
    out_shape=[jax.ShapeDtypeStruct((N, H), _f32),
               jax.ShapeDtypeStruct((N, 1), _f32)],
)

_tc2 = pl.pallas_call(
    _tc2_body,
    grid=(N // _B,),
    in_specs=[_plane_blk(0, 128), _plane_blk(1, 128), _row_blk(H), _row_blk(1),
              _full((H, H))],
    out_specs=_row_blk(H),
    out_shape=jax.ShapeDtypeStruct((N, H), _f32),
)

_tc3 = pl.pallas_call(
    _tc3_body,
    grid=(N // _B,),
    in_specs=[_plane_blk(0, 128), _plane_blk(1, 128), _row_blk(H), _row_blk(1),
              _full((H, C)), _full((1, C))],
    out_specs=_row_blk(C),
    out_shape=jax.ShapeDtypeStruct((N, C), _f32),
)


@jax.jit
def kernel(x, edge_index, W1, W2, W3, b3):
    row2 = edge_index[0].reshape(TOT_CHUNK, CH)
    col2 = edge_index[1].reshape(TOT_CHUNK, CH)

    counts = _hist(row2).reshape(NC, N_ACC, 1)

    g1, dis = _tc1(x, counts, counts, W1)
    agg1 = _agg(g1, row2, col2)
    g2 = _tc2(agg1, agg1, g1, dis, W2)
    agg2 = _agg(g2, row2, col2)
    return _tc3(agg2, agg2, g2, dis, W3, b3.reshape(1, C))

# --- scband reference (transcript-rebuilt; emitter-appended) ---
"""Pipeline reference for scband-gat-pynq-41832981463437 (READ-ONLY COPY).

The authoritative reference and input builder live on the scoring server;
editing this copy changes nothing except your own understanding.
"""

import math
import jax, jax.numpy as jnp
import numpy as np

N = 10000
E = 320000
D_FEAT = 128
HIDDEN = 128
N_CLASSES = 16


def setup_inputs(seed: int = 0):
    key = jax.random.key(seed)
    k1, k2, k3, k4, k5, k6 = jax.random.split(key, 6)
    x = jax.random.normal(k1, (N, D_FEAT), dtype=jnp.float32)
    edge_index = jax.random.randint(k2, (2, E), 0, N, dtype=jnp.int32)
    W1 = jax.random.normal(k3, (D_FEAT, HIDDEN), dtype=jnp.float32) * 0.05
    W2 = jax.random.normal(k4, (HIDDEN, HIDDEN), dtype=jnp.float32) * 0.05
    W3 = jax.random.normal(k5, (HIDDEN, N_CLASSES), dtype=jnp.float32) * 0.05
    b3 = jax.random.normal(k6, (N_CLASSES,), dtype=jnp.float32) * 0.05
    return {"x": x, "edge_index": edge_index, "W1": W1, "W2": W2, "W3": W3, "b3": b3}


def sym_norm2(edge_index, num_nodes):
    # average node degree from the raw (pre-self-loop) graph; static under jit
    avg_deg = edge_index.shape[1] / num_nodes
    fill_value = float(math.trunc(math.log2(avg_deg)))
    e = edge_index.shape[1]
    edge_weight = jnp.ones((e,), dtype=jnp.float32)
    # add self loops (add_remaining_self_loops with fill_value)
    loops = jnp.arange(num_nodes, dtype=edge_index.dtype)
    ei = jnp.concatenate([edge_index, jnp.stack([loops, loops], axis=0)], axis=1)
    ew = jnp.concatenate([edge_weight, jnp.full((num_nodes,), fill_value, dtype=jnp.float32)], axis=0)
    row, col = ei[0], ei[1]
    # deg = scatter_add(edge_weight, row, dim_size=num_nodes)
    deg = jnp.zeros((num_nodes,), dtype=jnp.float32).at[row].add(ew)
    deg_inv_sqrt = deg ** -0.5
    deg_inv_sqrt = jnp.where(jnp.isinf(deg_inv_sqrt), 0.0, deg_inv_sqrt)
    norm = deg_inv_sqrt[row] * ew * deg_inv_sqrt[col]
    return ei, norm


def gcn_layer(x, W, ei, norm, num_nodes):
    # dense transform then sparse A @ (xW): gather from col, scatter-add to row
    h = x @ W
    msgs = h[ei[1]] * norm[:, None]
    out = jnp.zeros((num_nodes, h.shape[1]), dtype=h.dtype).at[ei[0]].add(msgs)
    return out


def reference(x, edge_index, W1, W2, W3, b3):
    num_nodes = x.shape[0]
    ei, norm = sym_norm2(edge_index, num_nodes)
    # layer 1: GCNConv(num_node_features -> hidden)
    h = gcn_layer(x, W1, ei, norm, num_nodes)
    h = jax.nn.relu(h)
    # layer 2: GCNConv(hidden * head_count -> hidden), head_count=1
    h = gcn_layer(h, W2, ei, norm, num_nodes)
    h = h.astype(jnp.float32)
    # dropout(p=0.5) is identity in eval mode
    out = h @ W3 + b3
    return out

if __name__ == "__main__":
    import jax
    _d = setup_inputs()
    print(jax.jit(kernel)(*tuple(_d.values())))

</pallas_src>

<mosaic_0001>
#map = affine_map<(d0, d1) -> (0, 0)>
#map1 = affine_map<(d0, d1) -> (0)>
module attributes {stable_mosaic.version = 14 : i64} {
  func.func @_hist_body(%arg0: i32, %arg1: i32, %arg2: memref<5000x64xi32, #tpu.memory_space<hbm>>, %arg3: memref<20480xf32, #tpu.memory_space<hbm>>, %arg4: memref<10240xf32, #tpu.memory_space<vmem_shared>>, %arg5: memref<160x64xi32, #tpu.memory_space<vmem>>, %arg6: memref<64xf32, #tpu.memory_space<vmem>>, %arg7: memref<640xf32, #tpu.memory_space<vmem>>) attributes {dimension_semantics = [#tpu.dimension_semantics<core_parallel>, #tpu.dimension_semantics<subcore_parallel>], iteration_bounds = array<i64: 2, 16>, scalar_prefetch = 0 : i64, scratch_operands = 4 : i64, tpu.core_type = #tpu.core_type<sc_vector_subcore>, window_params = [{transform_indices = #map}, {transform_indices = #map1}]} {
    %broadcast_in_dim3A = arith.constant 0.000000e+00 : f32
    %broadcast_in_dim3A_0 = vector.broadcast %broadcast_in_dim3A : f32 to vector<16xf32>
    %broadcast_in_dim3A_1 = arith.constant 1.000000e+00 : f32
    %broadcast_in_dim3A_2 = vector.broadcast %broadcast_in_dim3A_1 : f32 to vector<16xf32>
    %swap3A = arith.constant 0 : index
    %swap3A_3 = tpu.vector_load %arg6[%swap3A] {strides = array<i32>} : memref<64xf32, #tpu.memory_space<vmem>>, vector<16xf32>,
    %swap3A_4 = vector.shape_cast %swap3A_3 : vector<16xf32> to vector<16xf32>
    %swap3A_5 = vector.shape_cast %broadcast_in_dim3A_2 : vector<16xf32> to vector<16xf32>
    tpu.vector_store %arg6[%swap3A], %swap3A_5 {strides = array<i32>} : memref<64xf32, #tpu.memory_space<vmem>>, vector<16xf32>,
    %swap3A_6 = arith.constant 16 : index
    %swap3A_7 = tpu.vector_load %arg6[%swap3A_6] {strides = array<i32>} : memref<64xf32, #tpu.memory_space<vmem>>, vector<16xf32>,
    %swap3A_8 = vector.shape_cast %swap3A_7 : vector<16xf32> to vector<16xf32>
    %swap3A_9 = vector.shape_cast %broadcast_in_dim3A_2 : vector<16xf32> to vector<16xf32>
    tpu.vector_store %arg6[%swap3A_6], %swap3A_9 {strides = array<i32>} : memref<64xf32, #tpu.memory_space<vmem>>, vector<16xf32>,
    %swap3A_10 = arith.constant 32 : index
    %swap3A_11 = tpu.vector_load %arg6[%swap3A_10] {strides = array<i32>} : memref<64xf32, #tpu.memory_space<vmem>>, vector<16xf32>,
    %swap3A_12 = vector.shape_cast %swap3A_11 : vector<16xf32> to vector<16xf32>
    %swap3A_13 = vector.shape_cast %broadcast_in_dim3A_2 : vector<16xf32> to vector<16xf32>
    tpu.vector_store %arg6[%swap3A_10], %swap3A_13 {strides = array<i32>} : memref<64xf32, #tpu.memory_space<vmem>>, vector<16xf32>,
    %swap3A_14 = arith.constant 48 : index
    %swap3A_15 = tpu.vector_load %arg6[%swap3A_14] {strides = array<i32>} : memref<64xf32, #tpu.memory_space<vmem>>, vector<16xf32>,
    %swap3A_16 = vector.shape_cast %swap3A_15 : vector<16xf32> to vector<16xf32>
    %swap3A_17 = vector.shape_cast %broadcast_in_dim3A_2 : vector<16xf32> to vector<16xf32>
    tpu.vector_store %arg6[%swap3A_14], %swap3A_17 {strides = array<i32>} : memref<64xf32, #tpu.memory_space<vmem>>, vector<16xf32>,
    %scan3A = arith.constant 0 : i32
    %scan3A_18 = arith.constant 0 : i32
    %scan3A_19 = arith.constant 40 : i32
    %scan3A_20 = arith.addi %scan3A_18, %scan3A_19 : i32
    %scan3A_21 = arith.constant 1 : i32
    %scan3A_22 = scf.for %scan3A_63 = %scan3A_18 to %scan3A_20 step %scan3A_21 iter_args(%scan3A_64 = %scan3A) -> (i32)  : i32 {
      %mul3A_65 = arith.constant 16 : i32
      %mul3A_66 = arith.muli %scan3A_63, %mul3A_65 : i32
      %swap3A_67 = arith.index_cast %mul3A_66 : i32 to index
      %swap3A_68 = tpu.vector_load %arg7[%swap3A_67] {strides = array<i32>} : memref<640xf32, #tpu.memory_space<vmem>>, vector<16xf32>,
      %swap3A_69 = vector.shape_cast %swap3A_68 : vector<16xf32> to vector<16xf32>
      %swap3A_70 = vector.shape_cast %broadcast_in_dim3A_0 : vector<16xf32> to vector<16xf32>
      tpu.vector_store %arg7[%swap3A_67], %swap3A_70 {strides = array<i32>} : memref<640xf32, #tpu.memory_space<vmem>>, vector<16xf32>,
      %scan3A_71 = arith.constant 0 : i32
      scf.yield %scan3A_71 : i32
    }
    %scan3A_23 = arith.constant 40 : i32
    %mul3A = arith.constant 640 : i32
    %mul3A_24 = arith.muli %arg1, %mul3A : i32
    "tpu.region"() ({
      %run_scoped3A = tpu.sem_alloc : memref<!tpu.dma_semaphore, #tpu.memory_space<semaphore_mem>>
      %dma_start3A = tpu.memref_slice %arg4[%mul3A_24] : memref<10240xf32, #tpu.memory_space<vmem_shared>> -> memref<640xf32, #tpu.memory_space<vmem_shared>>
      %dma_start3A_63 = tpu.memref_slice %arg4[%mul3A_24] : memref<10240xf32, #tpu.memory_space<vmem_shared>> -> memref<640xf32, #tpu.memory_space<vmem_shared>>
      tpu.enqueue_dma source(%arg7 : memref<640xf32, #tpu.memory_space<vmem>>) target(%dma_start3A_63 : memref<640xf32, #tpu.memory_space<vmem_shared>>) target_semaphore(%run_scoped3A : memref<!tpu.dma_semaphore, #tpu.memory_space<semaphore_mem>>)
      %dma_wait3A = tpu.memref_slice %arg4[%mul3A_24] : memref<10240xf32, #tpu.memory_space<vmem_shared>> -> memref<640xf32, #tpu.memory_space<vmem_shared>>
      %dma_wait3A_64 = tpu.memref_slice %arg4[%mul3A_24] : memref<10240xf32, #tpu.memory_space<vmem_shared>> -> memref<640xf32, #tpu.memory_space<vmem_shared>>
      tpu.wait_dma2 semaphore(%run_scoped3A : memref<!tpu.dma_semaphore, #tpu.memory_space<semaphore_mem>>) src(%arg7 : memref<640xf32, #tpu.memory_space<vmem>>) dst(%dma_wait3A_64 : memref<640xf32, #tpu.memory_space<vmem_shared>>)
      tpu.yield
    }) : () -> ()
    %mul3A_25 = arith.constant 16 : i32
    %mul3A_26 = arith.muli %arg0, %mul3A_25 : i32
    %add3A = arith.addi %mul3A_26, %arg1 : i32
    %mul3A_27 = arith.constant 20 : i32
    %mul3A_28 = arith.muli %mul3A_27, %add3A : i32
    %sub3A = arith.constant 17 : i32
    %sub3A_29 = arith.subi %add3A, %sub3A : i32
    %max3A = arith.constant 0 : i32
    %max3A_30 = arith.maxsi %sub3A_29, %max3A : i32
    %sub3A_31 = arith.subi %mul3A_28, %max3A_30 : i32
    %lt3A = arith.constant 17 : i32
    %lt3A_32 = arith.cmpi slt, %add3A, %lt3A : i32
    %jit3A = arith.constant 20 : i32
    %jit3A_33 = arith.constant 19 : i32
    %select_n3A = arith.select %lt3A_32, %jit3A, %jit3A_33 : i32
    %mul3A_34 = arith.constant 8 : i32
    %mul3A_35 = arith.muli %sub3A_31, %mul3A_34 : i32
    %mul3A_36 = arith.constant 16 : i32
    %mul3A_37 = arith.muli %arg0, %mul3A_36 : i32
    %add3A_38 = arith.addi %mul3A_37, %arg1 : i32
    "tpu.region"() ({
      %run_scoped3A = tpu.sem_alloc : memref<!tpu.dma_semaphore, #tpu.memory_space<semaphore_mem>>
      %dma_start3A = arith.constant 0 : i32
      %dma_start3A_63 = arith.constant 0 : i32
      %dma_start3A_64 = tpu.memref_slice %arg5[%dma_start3A, %dma_start3A_63] : memref<160x64xi32, #tpu.memory_space<vmem>> -> memref<152x64xi32, #tpu.memory_space<vmem>>
      %dma_start3A_65 = arith.constant 0 : i32
      %dma_start3A_66 = tpu.memref_slice %arg2[%mul3A_35, %dma_start3A_65] : memref<5000x64xi32, #tpu.memory_space<hbm>> -> memref<152x64xi32, #tpu.memory_space<hbm>>
      %dma_start3A_67 = arith.constant 0 : i32
      %dma_start3A_68 = arith.constant 0 : i32
      %dma_start3A_69 = tpu.memref_slice %arg5[%dma_start3A_67, %dma_start3A_68] : memref<160x64xi32, #tpu.memory_space<vmem>> -> memref<152x64xi32, #tpu.memory_space<vmem>>
      %dma_start3A_70 = arith.constant 0 : i32
      %dma_start3A_71 = tpu.memref_slice %arg2[%mul3A_35, %dma_start3A_70] : memref<5000x64xi32, #tpu.memory_space<hbm>> -> memref<152x64xi32, #tpu.memory_space<hbm>>
      tpu.enqueue_dma source(%dma_start3A_71 : memref<152x64xi32, #tpu.memory_space<hbm>>) target(%dma_start3A_69 : memref<152x64xi32, #tpu.memory_space<vmem>>) target_semaphore(%run_scoped3A : memref<!tpu.dma_semaphore, #tpu.memory_space<semaphore_mem>>)
      %dma_wait3A = arith.constant 0 : i32
      %dma_wait3A_72 = arith.constant 0 : i32
      %dma_wait3A_73 = tpu.memref_slice %arg5[%dma_wait3A, %dma_wait3A_72] : memref<160x64xi32, #tpu.memory_space<vmem>> -> memref<152x64xi32, #tpu.memory_space<vmem>>
      %dma_wait3A_74 = arith.constant 0 : i32
      %dma_wait3A_75 = tpu.memref_slice %arg2[%mul3A_35, %dma_wait3A_74] : memref<5000x64xi32, #tpu.memory_space<hbm>> -> memref<152x64xi32, #tpu.memory_space<hbm>>
      %dma_wait3A_76 = arith.constant 0 : i32
      %dma_wait3A_77 = arith.constant 0 : i32
      %dma_wait3A_78 = tpu.memref_slice %arg5[%dma_wait3A_76, %dma_wait3A_77] : memref<160x64xi32, #tpu.memory_space<vmem>> -> memref<152x64xi32, #tpu.memory_space<vmem>>
      %dma_wait3A_79 = arith.constant 0 : i32
      %dma_wait3A_80 = tpu.memref_slice %arg2[%mul3A_35, %dma_wait3A_79] : memref<5000x64xi32, #tpu.memory_space<hbm>> -> memref<152x64xi32, #tpu.memory_space<hbm>>
      tpu.wait_dma2 semaphore(%run_scoped3A : memref<!tpu.dma_semaphore, #tpu.memory_space<semaphore_mem>>) src(%dma_wait3A_80 : memref<152x64xi32, #tpu.memory_space<hbm>>) dst(%dma_wait3A_78 : memref<152x64xi32, #tpu.memory_space<vmem>>)
      tpu.yield
    }) : () -> ()
    %lt3A_39 = arith.constant 17 : i32
    %lt3A_40 = arith.cmpi slt, %add3A_38, %lt3A_39 : i32
    %convert_element_type3A = arith.extui %lt3A_40 : i1 to i32
    %cond3A = arith.constant 0 : i32
    %cond3A_41 = arith.cmpi ne, %convert_element_type3A, %cond3A : i32
    scf.if %cond3A_41 {
      %add3A_63 = arith.constant 152 : i32
      %add3A_64 = arith.addi %mul3A_35, %add3A_63 : i32
      "tpu.region"() ({
        %run_scoped3A = tpu.sem_alloc : memref<!tpu.dma_semaphore, #tpu.memory_space<semaphore_mem>>
        %dma_start3A = arith.constant 152 : i32
        %dma_start3A_65 = arith.constant 0 : i32
        %dma_start3A_66 = tpu.memref_slice %arg5[%dma_start3A, %dma_start3A_65] : memref<160x64xi32, #tpu.memory_space<vmem>> -> memref<8x64xi32, #tpu.memory_space<vmem>>
        %dma_start3A_67 = arith.constant 0 : i32
        %dma_start3A_68 = tpu.memref_slice %arg2[%add3A_64, %dma_start3A_67] : memref<5000x64xi32, #tpu.memory_space<hbm>> -> memref<8x64xi32, #tpu.memory_space<hbm>>
        %dma_start3A_69 = arith.constant 152 : i32
        %dma_start3A_70 = arith.constant 0 : i32
        %dma_start3A_71 = tpu.memref_slice %arg5[%dma_start3A_69, %dma_start3A_70] : memref<160x64xi32, #tpu.memory_space<vmem>> -> memref<8x64xi32, #tpu.memory_space<vmem>>
        %dma_start3A_72 = arith.constant 0 : i32
        %dma_start3A_73 = tpu.memref_slice %arg2[%add3A_64, %dma_start3A_72] : memref<5000x64xi32, #tpu.memory_space<hbm>> -> memref<8x64xi32, #tpu.memory_space<hbm>>
        tpu.enqueue_dma source(%dma_start3A_73 : memref<8x64xi32, #tpu.memory_space<hbm>>) target(%dma_start3A_71 : memref<8x64xi32, #tpu.memory_space<vmem>>) target_semaphore(%run_scoped3A : memref<!tpu.dma_semaphore, #tpu.memory_space<semaphore_mem>>)
        %dma_wait3A = arith.constant 152 : i32
        %dma_wait3A_74 = arith.constant 0 : i32
        %dma_wait3A_75 = tpu.memref_slice %arg5[%dma_wait3A, %dma_wait3A_74] : memref<160x64xi32, #tpu.memory_space<vmem>> -> memref<8x64xi32, #tpu.memory_space<vmem>>
        %dma_wait3A_76 = arith.constant 0 : i32
        %dma_wait3A_77 = tpu.memref_slice %arg2[%add3A_64, %dma_wait3A_76] : memref<5000x64xi32, #tpu.memory_space<hbm>> -> memref<8x64xi32, #tpu.memory_space<hbm>>
        %dma_wait3A_78 = arith.constant 152 : i32
        %dma_wait3A_79 = arith.constant 0 : i32
        %dma_wait3A_80 = tpu.memref_slice %arg5[%dma_wait3A_78, %dma_wait3A_79] : memref<160x64xi32, #tpu.memory_space<vmem>> -> memref<8x64xi32, #tpu.memory_space<vmem>>
        %dma_wait3A_81 = arith.constant 0 : i32
        %dma_wait3A_82 = tpu.memref_slice %arg2[%add3A_64, %dma_wait3A_81] : memref<5000x64xi32, #tpu.memory_space<hbm>> -> memref<8x64xi32, #tpu.memory_space<hbm>>
        tpu.wait_dma2 semaphore(%run_scoped3A : memref<!tpu.dma_semaphore, #tpu.memory_space<semaphore_mem>>) src(%dma_wait3A_82 : memref<8x64xi32, #tpu.memory_space<hbm>>) dst(%dma_wait3A_80 : memref<8x64xi32, #tpu.memory_space<vmem>>)
        tpu.yield
      }) : () -> ()
    } else {
    }
    %barrier3A = arith.constant 0 : index
    tpu.barrier barrier_id(%barrier3A)
    %mul3A_42 = arith.constant 8 : i32
    %mul3A_43 = arith.muli %select_n3A, %mul3A_42 : i32
    %while3A = arith.constant 0 : i32
    %while3A_44 = arith.constant 0 : i32
    %while3A_45 = arith.subi %mul3A_43, %while3A : i32
    %while3A_46 = arith.addi %while3A, %while3A_45 : i32
    %while3A_47 = arith.constant 1 : i32
    %while3A_48 = arith.divsi %while3A_45, %while3A_47 : i32
    %while3A_49 = arith.muli %while3A_48, %while3A_47 : i32
    %while3A_50 = arith.addi %while3A, %while3A_49 : i32
    %while3A_51 = arith.constant 1 : i32
    %while3A_52 = scf.for %while3A_63 = %while3A to %while3A_50 step %while3A_51 iter_args(%while3A_64 = %while3A_44) -> (i32)  : i32 {
      "tpu.region"() ({
        %run_scoped3A = tpu.sem_alloc : memref<!tpu.dma_semaphore, #tpu.memory_space<semaphore_mem>>
        %dma_start3A = arith.constant 0 : i32
        %dma_start3A_66 = tpu.memref_slice %arg5[%while3A_63, %dma_start3A] : memref<160x64xi32, #tpu.memory_space<vmem>> -> memref<1x64xi32, #tpu.memory_space<vmem>>
        %dma_start3A_67 = tpu.memref_squeeze %dma_start3A_66 : memref<1x64xi32, #tpu.memory_space<vmem>> -> memref<64xi32, #tpu.memory_space<vmem>>
        %dma_start3A_68 = arith.constant 0 : i32
        %dma_start3A_69 = tpu.memref_slice %arg4[%dma_start3A_68] : memref<10240xf32, #tpu.memory_space<vmem_shared>> -> memref<10240xf32, #tpu.memory_space<vmem_shared>>
        tpu.enqueue_indirect_dma source(%arg6 : memref<64xf32, #tpu.memory_space<vmem>>) target(%dma_start3A_69 : memref<10240xf32, #tpu.memory_space<vmem_shared>>) offsets(%dma_start3A_67 : memref<64xi32, #tpu.memory_space<vmem>>) semaphore(%run_scoped3A : memref<!tpu.dma_semaphore, #tpu.memory_space<semaphore_mem>>) {add = true}
        %dma_wait3A = arith.constant 0 : i32
        %dma_wait3A_70 = tpu.memref_slice %arg5[%while3A_63, %dma_wait3A] : memref<160x64xi32, #tpu.memory_space<vmem>> -> memref<1x64xi32, #tpu.memory_space<vmem>>
        %dma_wait3A_71 = tpu.memref_squeeze %dma_wait3A_70 : memref<1x64xi32, #tpu.memory_space<vmem>> -> memref<64xi32, #tpu.memory_space<vmem>>
        %dma_wait3A_72 = arith.constant 0 : i32
        %dma_wait3A_73 = tpu.memref_slice %arg4[%dma_wait3A_72] : memref<10240xf32, #tpu.memory_space<vmem_shared>> -> memref<10240xf32, #tpu.memory_space<vmem_shared>>
        tpu.wait_indirect_dma semaphore(%run_scoped3A : memref<!tpu.dma_semaphore, #tpu.memory_space<semaphore_mem>>) src(%arg6 : memref<64xf32, #tpu.memory_space<vmem>>) dst(%dma_wait3A_73 : memref<10240xf32, #tpu.memory_space<vmem_shared>>)
        tpu.yield
      }) : () -> ()
      %while3A_65 = arith.constant 0 : i32
      scf.yield %while3A_65 : i32
    }
    %while3A_53 = arith.constant 1 : i32
    %while3A_54 = scf.for %while3A_63 = %while3A_50 to %while3A_46 step %while3A_53 iter_args(%while3A_64 = %while3A_52) -> (i32)  : i32 {
      "tpu.region"() ({
        %run_scoped3A = tpu.sem_alloc : memref<!tpu.dma_semaphore, #tpu.memory_space<semaphore_mem>>
        %dma_start3A = arith.constant 0 : i32
        %dma_start3A_66 = tpu.memref_slice %arg5[%while3A_63, %dma_start3A] : memref<160x64xi32, #tpu.memory_space<vmem>> -> memref<1x64xi32, #tpu.memory_space<vmem>>
        %dma_start3A_67 = tpu.memref_squeeze %dma_start3A_66 : memref<1x64xi32, #tpu.memory_space<vmem>> -> memref<64xi32, #tpu.memory_space<vmem>>
        %dma_start3A_68 = arith.constant 0 : i32
        %dma_start3A_69 = tpu.memref_slice %arg4[%dma_start3A_68] : memref<10240xf32, #tpu.memory_space<vmem_shared>> -> memref<10240xf32, #tpu.memory_space<vmem_shared>>
        tpu.enqueue_indirect_dma source(%arg6 : memref<64xf32, #tpu.memory_space<vmem>>) target(%dma_start3A_69 : memref<10240xf32, #tpu.memory_space<vmem_shared>>) offsets(%dma_start3A_67 : memref<64xi32, #tpu.memory_space<vmem>>) semaphore(%run_scoped3A : memref<!tpu.dma_semaphore, #tpu.memory_space<semaphore_mem>>) {add = true}
        %dma_wait3A = arith.constant 0 : i32
        %dma_wait3A_70 = tpu.memref_slice %arg5[%while3A_63, %dma_wait3A] : memref<160x64xi32, #tpu.memory_space<vmem>> -> memref<1x64xi32, #tpu.memory_space<vmem>>
        %dma_wait3A_71 = tpu.memref_squeeze %dma_wait3A_70 : memref<1x64xi32, #tpu.memory_space<vmem>> -> memref<64xi32, #tpu.memory_space<vmem>>
        %dma_wait3A_72 = arith.constant 0 : i32
        %dma_wait3A_73 = tpu.memref_slice %arg4[%dma_wait3A_72] : memref<10240xf32, #tpu.memory_space<vmem_shared>> -> memref<10240xf32, #tpu.memory_space<vmem_shared>>
        tpu.wait_indirect_dma semaphore(%run_scoped3A : memref<!tpu.dma_semaphore, #tpu.memory_space<semaphore_mem>>) src(%arg6 : memref<64xf32, #tpu.memory_space<vmem>>) dst(%dma_wait3A_73 : memref<10240xf32, #tpu.memory_space<vmem_shared>>)
        tpu.yield
      }) : () -> ()
      %while3A_65 = arith.constant 0 : i32
      scf.yield %while3A_65 : i32
    }
    %barrier3A_55 = arith.constant 0 : index
    tpu.barrier barrier_id(%barrier3A_55)
    %mul3A_56 = arith.constant 640 : i32
    %mul3A_57 = arith.muli %arg1, %mul3A_56 : i32
    %mul3A_58 = arith.constant 10240 : i32
    %mul3A_59 = arith.muli %arg0, %mul3A_58 : i32
    %mul3A_60 = arith.constant 640 : i32
    %mul3A_61 = arith.muli %arg1, %mul3A_60 : i32
    %add3A_62 = arith.addi %mul3A_59, %mul3A_61 : i32
    "tpu.region"() ({
      %run_scoped3A = tpu.sem_alloc : memref<!tpu.dma_semaphore, #tpu.memory_space<semaphore_mem>>
      %dma_start3A = tpu.memref_slice %arg3[%add3A_62] : memref<20480xf32, #tpu.memory_space<hbm>> -> memref<640xf32, #tpu.memory_space<hbm>>
      %dma_start3A_63 = tpu.memref_slice %arg4[%mul3A_57] : memref<10240xf32, #tpu.memory_space<vmem_shared>> -> memref<640xf32, #tpu.memory_space<vmem_shared>>
      tpu.enqueue_dma source(%dma_start3A_63 : memref<640xf32, #tpu.memory_space<vmem_shared>>) target(%dma_start3A : memref<640xf32, #tpu.memory_space<hbm>>) target_semaphore(%run_scoped3A : memref<!tpu.dma_semaphore, #tpu.memory_space<semaphore_mem>>)
      %dma_wait3A = tpu.memref_slice %arg3[%add3A_62] : memref<20480xf32, #tpu.memory_space<hbm>> -> memref<640xf32, #tpu.memory_space<hbm>>
      %dma_wait3A_64 = tpu.memref_slice %arg4[%mul3A_57] : memref<10240xf32, #tpu.memory_space<vmem_shared>> -> memref<640xf32, #tpu.memory_space<vmem_shared>>
      tpu.wait_dma2 semaphore(%run_scoped3A : memref<!tpu.dma_semaphore, #tpu.memory_space<semaphore_mem>>) src(%dma_wait3A_64 : memref<640xf32, #tpu.memory_space<vmem_shared>>) dst(%dma_wait3A : memref<640xf32, #tpu.memory_space<hbm>>)
      tpu.yield
    }) : () -> ()
    return
  }
}

#map = affine_map<(d0, d1) -> (0, 0)>
#map1 = affine_map<(d0, d1) -> (0, 0, 0)>
module attributes {stable_mosaic.version = 14 : i64} {
  func.func @_agg_body(%arg0: i32, %arg1: i32, %arg2: memref<10000x128xf32, #tpu.memory_space<hbm>>, %arg3: memref<5000x64xi32, #tpu.memory_space<hbm>>, %arg4: memref<5000x64xi32, #tpu.memory_space<hbm>>, %arg5: memref<2x10240x128xf32, #tpu.memory_space<hbm>>, %arg6: memref<10240x128xf32, #tpu.memory_space<vmem_shared>>, %arg7: memref<8x64xi32, #tpu.memory_space<vmem>>, %arg8: memref<8x64xi32, #tpu.memory_space<vmem>>, %arg9: memref<64x128xf32, #tpu.memory_space<vmem>>, %arg10: memref<64x128xf32, #tpu.memory_space<vmem>>, %arg11: memref<!tpu.dma_semaphore, #tpu.memory_space<semaphore_mem>>, %arg12: memref<!tpu.dma_semaphore, #tpu.memory_space<semaphore_mem>>) attributes {dimension_semantics = [#tpu.dimension_semantics<core_parallel>, #tpu.dimension_semantics<subcore_parallel>], iteration_bounds = array<i64: 2, 16>, scalar_prefetch = 0 : i64, scratch_operands = 7 : i64, tpu.core_type = #tpu.core_type<sc_vector_subcore>, window_params = [{transform_indices = #map}, {transform_indices = #map}, {transform_indices = #map}, {transform_indices = #map1}]} {
    %broadcast_in_dim3A = arith.constant 0.000000e+00 : f32
    %broadcast_in_dim3A_0 = vector.broadcast %broadcast_in_dim3A : f32 to vector<16xf32>
    %scan3A = arith.constant 0 : i32
    %scan3A_1 = arith.constant 0 : i32
    %scan3A_2 = arith.constant 64 : i32
    %scan3A_3 = arith.addi %scan3A_1, %scan3A_2 : i32
    %scan3A_4 = arith.constant 1 : i32
    %scan3A_5 = scf.for %scan3A_36 = %scan3A_1 to %scan3A_3 step %scan3A_4 iter_args(%scan3A_37 = %scan3A) -> (i32)  : i32 {
      %swap3A = arith.index_cast %scan3A_36 : i32 to index
      %swap3A_38 = arith.constant 0 : index
      %swap3A_39 = tpu.vector_load %arg9[%swap3A, %swap3A_38] {strides = array<i32>} : memref<64x128xf32, #tpu.memory_space<vmem>>, vector<1x16xf32>,
      %swap3A_40 = vector.shape_cast %swap3A_39 : vector<1x16xf32> to vector<16xf32>
      %swap3A_41 = vector.shape_cast %broadcast_in_dim3A_0 : vector<16xf32> to vector<1x16xf32>
      tpu.vector_store %arg9[%swap3A, %swap3A_38], %swap3A_41 {strides = array<i32>} : memref<64x128xf32, #tpu.memory_space<vmem>>, vector<1x16xf32>,
      %swap3A_42 = arith.index_cast %scan3A_36 : i32 to index
      %swap3A_43 = arith.constant 16 : index
      %swap3A_44 = tpu.vector_load %arg9[%swap3A_42, %swap3A_43] {strides = array<i32>} : memref<64x128xf32, #tpu.memory_space<vmem>>, vector<1x16xf32>,
      %swap3A_45 = vector.shape_cast %swap3A_44 : vector<1x16xf32> to vector<16xf32>
      %swap3A_46 = vector.shape_cast %broadcast_in_dim3A_0 : vector<16xf32> to vector<1x16xf32>
      tpu.vector_store %arg9[%swap3A_42, %swap3A_43], %swap3A_46 {strides = array<i32>} : memref<64x128xf32, #tpu.memory_space<vmem>>, vector<1x16xf32>,
      %swap3A_47 = arith.index_cast %scan3A_36 : i32 to index
      %swap3A_48 = arith.constant 32 : index
      %swap3A_49 = tpu.vector_load %arg9[%swap3A_47, %swap3A_48] {strides = array<i32>} : memref<64x128xf32, #tpu.memory_space<vmem>>, vector<1x16xf32>,
      %swap3A_50 = vector.shape_cast %swap3A_49 : vector<1x16xf32> to vector<16xf32>
      %swap3A_51 = vector.shape_cast %broadcast_in_dim3A_0 : vector<16xf32> to vector<1x16xf32>
      tpu.vector_store %arg9[%swap3A_47, %swap3A_48], %swap3A_51 {strides = array<i32>} : memref<64x128xf32, #tpu.memory_space<vmem>>, vector<1x16xf32>,
      %swap3A_52 = arith.index_cast %scan3A_36 : i32 to index
      %swap3A_53 = arith.constant 48 : index
      %swap3A_54 = tpu.vector_load %arg9[%swap3A_52, %swap3A_53] {strides = array<i32>} : memref<64x128xf32, #tpu.memory_space<vmem>>, vector<1x16xf32>,
      %swap3A_55 = vector.shape_cast %swap3A_54 : vector<1x16xf32> to vector<16xf32>
      %swap3A_56 = vector.shape_cast %broadcast_in_dim3A_0 : vector<16xf32> to vector<1x16xf32>
      tpu.vector_store %arg9[%swap3A_52, %swap3A_53], %swap3A_56 {strides = array<i32>} : memref<64x128xf32, #tpu.memory_space<vmem>>, vector<1x16xf32>,
      %swap3A_57 = arith.index_cast %scan3A_36 : i32 to index
      %swap3A_58 = arith.constant 64 : index
      %swap3A_59 = tpu.vector_load %arg9[%swap3A_57, %swap3A_58] {strides = array<i32>} : memref<64x128xf32, #tpu.memory_space<vmem>>, vector<1x16xf32>,
      %swap3A_60 = vector.shape_cast %swap3A_59 : vector<1x16xf32> to vector<16xf32>
      %swap3A_61 = vector.shape_cast %broadcast_in_dim3A_0 : vector<16xf32> to vector<1x16xf32>
      tpu.vector_store %arg9[%swap3A_57, %swap3A_58], %swap3A_61 {strides = array<i32>} : memref<64x128xf32, #tpu.memory_space<vmem>>, vector<1x16xf32>,
      %swap3A_62 = arith.index_cast %scan3A_36 : i32 to index
      %swap3A_63 = arith.constant 80 : index
      %swap3A_64 = tpu.vector_load %arg9[%swap3A_62, %swap3A_63] {strides = array<i32>} : memref<64x128xf32, #tpu.memory_space<vmem>>, vector<1x16xf32>,
      %swap3A_65 = vector.shape_cast %swap3A_64 : vector<1x16xf32> to vector<16xf32>
      %swap3A_66 = vector.shape_cast %broadcast_in_dim3A_0 : vector<16xf32> to vector<1x16xf32>
      tpu.vector_store %arg9[%swap3A_62, %swap3A_63], %swap3A_66 {strides = array<i32>} : memref<64x128xf32, #tpu.memory_space<vmem>>, vector<1x16xf32>,
      %swap3A_67 = arith.index_cast %scan3A_36 : i32 to index
      %swap3A_68 = arith.constant 96 : index
      %swap3A_69 = tpu.vector_load %arg9[%swap3A_67, %swap3A_68] {strides = array<i32>} : memref<64x128xf32, #tpu.memory_space<vmem>>, vector<1x16xf32>,
      %swap3A_70 = vector.shape_cast %swap3A_69 : vector<1x16xf32> to vector<16xf32>
      %swap3A_71 = vector.shape_cast %broadcast_in_dim3A_0 : vector<16xf32> to vector<1x16xf32>
      tpu.vector_store %arg9[%swap3A_67, %swap3A_68], %swap3A_71 {strides = array<i32>} : memref<64x128xf32, #tpu.memory_space<vmem>>, vector<1x16xf32>,
      %swap3A_72 = arith.index_cast %scan3A_36 : i32 to index
      %swap3A_73 = arith.constant 112 : index
      %swap3A_74 = tpu.vector_load %arg9[%swap3A_72, %swap3A_73] {strides = array<i32>} : memref<64x128xf32, #tpu.memory_space<vmem>>, vector<1x16xf32>,
      %swap3A_75 = vector.shape_cast %swap3A_74 : vector<1x16xf32> to vector<16xf32>
      %swap3A_76 = vector.shape_cast %broadcast_in_dim3A_0 : vector<16xf32> to vector<1x16xf32>
      tpu.vector_store %arg9[%swap3A_72, %swap3A_73], %swap3A_76 {strides = array<i32>} : memref<64x128xf32, #tpu.memory_space<vmem>>, vector<1x16xf32>,
      %scan3A_77 = arith.constant 0 : i32
      scf.yield %scan3A_77 : i32
    }
    %scan3A_6 = arith.constant 64 : i32
    %mul3A = arith.constant 640 : i32
    %mul3A_7 = arith.muli %arg1, %mul3A : i32
    %scan3A_8 = arith.constant 0 : i32
    %scan3A_9 = arith.constant 0 : i32
    %scan3A_10 = arith.constant 10 : i32
    %scan3A_11 = arith.addi %scan3A_9, %scan3A_10 : i32
    %scan3A_12 = arith.constant 1 : i32
    %scan3A_13 = scf.for %scan3A_36 = %scan3A_9 to %scan3A_11 step %scan3A_12 iter_args(%scan3A_37 = %scan3A_8) -> (i32)  : i32 {
      %mul3A_38 = arith.constant 64 : i32
      %mul3A_39 = arith.muli %scan3A_36, %mul3A_38 : i32
      %add3A_40 = arith.addi %mul3A_7, %mul3A_39 : i32
      "tpu.region"() ({
        %run_scoped3A = tpu.sem_alloc : memref<!tpu.dma_semaphore, #tpu.memory_space<semaphore_mem>>
        %dma_start3A = arith.constant 0 : i32
        %dma_start3A_42 = tpu.memref_slice %arg6[%add3A_40, %dma_start3A] : memref<10240x128xf32, #tpu.memory_space<vmem_shared>> -> memref<64x128xf32, #tpu.memory_space<vmem_shared>>
        %dma_start3A_43 = arith.constant 0 : i32
        %dma_start3A_44 = tpu.memref_slice %arg6[%add3A_40, %dma_start3A_43] : memref<10240x128xf32, #tpu.memory_space<vmem_shared>> -> memref<64x128xf32, #tpu.memory_space<vmem_shared>>
        tpu.enqueue_dma source(%arg9 : memref<64x128xf32, #tpu.memory_space<vmem>>) target(%dma_start3A_44 : memref<64x128xf32, #tpu.memory_space<vmem_shared>>) target_semaphore(%run_scoped3A : memref<!tpu.dma_semaphore, #tpu.memory_space<semaphore_mem>>)
        %dma_wait3A = arith.constant 0 : i32
        %dma_wait3A_45 = tpu.memref_slice %arg6[%add3A_40, %dma_wait3A] : memref<10240x128xf32, #tpu.memory_space<vmem_shared>> -> memref<64x128xf32, #tpu.memory_space<vmem_shared>>
        %dma_wait3A_46 = arith.constant 0 : i32
        %dma_wait3A_47 = tpu.memref_slice %arg6[%add3A_40, %dma_wait3A_46] : memref<10240x128xf32, #tpu.memory_space<vmem_shared>> -> memref<64x128xf32, #tpu.memory_space<vmem_shared>>
        tpu.wait_dma2 semaphore(%run_scoped3A : memref<!tpu.dma_semaphore, #tpu.memory_space<semaphore_mem>>) src(%arg9 : memref<64x128xf32, #tpu.memory_space<vmem>>) dst(%dma_wait3A_47 : memref<64x128xf32, #tpu.memory_space<vmem_shared>>)
        tpu.yield
      }) : () -> ()
      %scan3A_41 = arith.constant 0 : i32
      scf.yield %scan3A_41 : i32
    }
    %scan3A_14 = arith.constant 10 : i32
    %barrier3A = arith.constant 0 : index
    tpu.barrier barrier_id(%barrier3A)
    %mul3A_15 = arith.constant 16 : i32
    %mul3A_16 = arith.muli %arg0, %mul3A_15 : i32
    %add3A = arith.addi %mul3A_16, %arg1 : i32
    %mul3A_17 = arith.constant 20 : i32
    %mul3A_18 = arith.muli %mul3A_17, %add3A : i32
    %sub3A = arith.constant 17 : i32
    %sub3A_19 = arith.subi %add3A, %sub3A : i32
    %max3A = arith.constant 0 : i32
    %max3A_20 = arith.maxsi %sub3A_19, %max3A : i32
    %sub3A_21 = arith.subi %mul3A_18, %max3A_20 : i32
    %lt3A = arith.constant 17 : i32
    %lt3A_22 = arith.cmpi slt, %add3A, %lt3A : i32
    %jit3A = arith.constant 20 : i32
    %jit3A_23 = arith.constant 19 : i32
    %select_n3A = arith.select %lt3A_22, %jit3A, %jit3A_23 : i32
    %while3A = arith.constant 0 : i32
    %while3A_24 = arith.constant 0 : i32
    %while3A_25 = arith.subi %select_n3A, %while3A : i32
    %while3A_26 = arith.addi %while3A, %while3A_25 : i32
    %while3A_27 = arith.constant 1 : i32
    %while3A_28 = arith.divsi %while3A_25, %while3A_27 : i32
    %while3A_29 = arith.muli %while3A_28, %while3A_27 : i32
    %while3A_30 = arith.addi %while3A, %while3A_29 : i32
    %while3A_31 = arith.constant 1 : i32
    %while3A_32 = scf.for %while3A_36 = %while3A to %while3A_30 step %while3A_31 iter_args(%while3A_37 = %while3A_24) -> (i32)  : i32 {
      %add3A_38 = arith.addi %sub3A_21, %while3A_36 : i32
      %mul3A_39 = arith.constant 8 : i32
      %mul3A_40 = arith.muli %add3A_38, %mul3A_39 : i32
      "tpu.region"() ({
        %run_scoped3A = tpu.sem_alloc : memref<!tpu.dma_semaphore, #tpu.memory_space<semaphore_mem>>
        %dma_start3A_55 = arith.constant 0 : i32
        %dma_start3A_56 = tpu.memref_slice %arg3[%mul3A_40, %dma_start3A_55] : memref<5000x64xi32, #tpu.memory_space<hbm>> -> memref<8x64xi32, #tpu.memory_space<hbm>>
        %dma_start3A_57 = arith.constant 0 : i32
        %dma_start3A_58 = tpu.memref_slice %arg3[%mul3A_40, %dma_start3A_57] : memref<5000x64xi32, #tpu.memory_space<hbm>> -> memref<8x64xi32, #tpu.memory_space<hbm>>
        tpu.enqueue_dma source(%dma_start3A_58 : memref<8x64xi32, #tpu.memory_space<hbm>>) target(%arg7 : memref<8x64xi32, #tpu.memory_space<vmem>>) target_semaphore(%run_scoped3A : memref<!tpu.dma_semaphore, #tpu.memory_space<semaphore_mem>>)
        %dma_wait3A = arith.constant 0 : i32
        %dma_wait3A_59 = tpu.memref_slice %arg3[%mul3A_40, %dma_wait3A] : memref<5000x64xi32, #tpu.memory_space<hbm>> -> memref<8x64xi32, #tpu.memory_space<hbm>>
        %dma_wait3A_60 = arith.constant 0 : i32
        %dma_wait3A_61 = tpu.memref_slice %arg3[%mul3A_40, %dma_wait3A_60] : memref<5000x64xi32, #tpu.memory_space<hbm>> -> memref<8x64xi32, #tpu.memory_space<hbm>>
        tpu.wait_dma2 semaphore(%run_scoped3A : memref<!tpu.dma_semaphore, #tpu.memory_space<semaphore_mem>>) src(%dma_wait3A_61 : memref<8x64xi32, #tpu.memory_space<hbm>>) dst(%arg7 : memref<8x64xi32, #tpu.memory_space<vmem>>)
        tpu.yield
      }) : () -> ()
      "tpu.region"() ({
        %run_scoped3A = tpu.sem_alloc : memref<!tpu.dma_semaphore, #tpu.memory_space<semaphore_mem>>
        %dma_start3A_55 = arith.constant 0 : i32
        %dma_start3A_56 = tpu.memref_slice %arg4[%mul3A_40, %dma_start3A_55] : memref<5000x64xi32, #tpu.memory_space<hbm>> -> memref<8x64xi32, #tpu.memory_space<hbm>>
        %dma_start3A_57 = arith.constant 0 : i32
        %dma_start3A_58 = tpu.memref_slice %arg4[%mul3A_40, %dma_start3A_57] : memref<5000x64xi32, #tpu.memory_space<hbm>> -> memref<8x64xi32, #tpu.memory_space<hbm>>
        tpu.enqueue_dma source(%dma_start3A_58 : memref<8x64xi32, #tpu.memory_space<hbm>>) target(%arg8 : memref<8x64xi32, #tpu.memory_space<vmem>>) target_semaphore(%run_scoped3A : memref<!tpu.dma_semaphore, #tpu.memory_space<semaphore_mem>>)
        %dma_wait3A = arith.constant 0 : i32
        %dma_wait3A_59 = tpu.memref_slice %arg4[%mul3A_40, %dma_wait3A] : memref<5000x64xi32, #tpu.memory_space<hbm>> -> memref<8x64xi32, #tpu.memory_space<hbm>>
        %dma_wait3A_60 = arith.constant 0 : i32
        %dma_wait3A_61 = tpu.memref_slice %arg4[%mul3A_40, %dma_wait3A_60] : memref<5000x64xi32, #tpu.memory_space<hbm>> -> memref<8x64xi32, #tpu.memory_space<hbm>>
        tpu.wait_dma2 semaphore(%run_scoped3A : memref<!tpu.dma_semaphore, #tpu.memory_space<semaphore_mem>>) src(%dma_wait3A_61 : memref<8x64xi32, #tpu.memory_space<hbm>>) dst(%arg8 : memref<8x64xi32, #tpu.memory_space<vmem>>)
        tpu.yield
      }) : () -> ()
      %dma_start3A = arith.constant 0 : i32
      %dma_start3A_41 = arith.constant 0 : i32
      %dma_start3A_42 = tpu.memref_slice %arg8[%dma_start3A, %dma_start3A_41] : memref<8x64xi32, #tpu.memory_space<vmem>> -> memref<1x64xi32, #tpu.memory_space<vmem>>
      %dma_start3A_43 = tpu.memref_squeeze %dma_start3A_42 : memref<1x64xi32, #tpu.memory_space<vmem>> -> memref<64xi32, #tpu.memory_space<vmem>>
      %dma_start3A_44 = arith.constant 0 : i32
      %dma_start3A_45 = arith.constant 0 : i32
      %dma_start3A_46 = tpu.memref_slice %arg2[%dma_start3A_44, %dma_start3A_45] : memref<10000x128xf32, #tpu.memory_space<hbm>> -> memref<10000x128xf32, #tpu.memory_space<hbm>>
      tpu.enqueue_indirect_dma source(%dma_start3A_46 : memref<10000x128xf32, #tpu.memory_space<hbm>>) target(%arg9 : memref<64x128xf32, #tpu.memory_space<vmem>>) offsets(%dma_start3A_43 : memref<64xi32, #tpu.memory_space<vmem>>) semaphore(%arg11 : memref<!tpu.dma_semaphore, #tpu.memory_space<semaphore_mem>>)
      %scan3A_47 = arith.constant 0 : i32
      %scan3A_48 = arith.constant 0 : i32
      %scan3A_49 = arith.constant 4 : i32
      %scan3A_50 = arith.addi %scan3A_48, %scan3A_49 : i32
      %scan3A_51 = arith.constant 1 : i32
      %scan3A_52 = scf.for %scan3A_55 = %scan3A_48 to %scan3A_50 step %scan3A_51 iter_args(%scan3A_56 = %scan3A_47) -> (i32)  : i32 {
        %mul3A_57 = arith.constant 2 : i32
        %mul3A_58 = arith.muli %scan3A_55, %mul3A_57 : i32
        %add3A_59 = arith.constant 1 : i32
        %add3A_60 = arith.addi %mul3A_58, %add3A_59 : i32
        %dma_start3A_61 = arith.constant 0 : i32
        %dma_start3A_62 = tpu.memref_slice %arg8[%add3A_60, %dma_start3A_61] : memref<8x64xi32, #tpu.memory_space<vmem>> -> memref<1x64xi32, #tpu.memory_space<vmem>>
        %dma_start3A_63 = tpu.memref_squeeze %dma_start3A_62 : memref<1x64xi32, #tpu.memory_space<vmem>> -> memref<64xi32, #tpu.memory_space<vmem>>
        %dma_start3A_64 = arith.constant 0 : i32
        %dma_start3A_65 = arith.constant 0 : i32
        %dma_start3A_66 = tpu.memref_slice %arg2[%dma_start3A_64, %dma_start3A_65] : memref<10000x128xf32, #tpu.memory_space<hbm>> -> memref<10000x128xf32, #tpu.memory_space<hbm>>
        tpu.enqueue_indirect_dma source(%dma_start3A_66 : memref<10000x128xf32, #tpu.memory_space<hbm>>) target(%arg10 : memref<64x128xf32, #tpu.memory_space<vmem>>) offsets(%dma_start3A_63 : memref<64xi32, #tpu.memory_space<vmem>>) semaphore(%arg12 : memref<!tpu.dma_semaphore, #tpu.memory_space<semaphore_mem>>)
        %dma_wait3A = arith.constant 0 : i32
        %dma_wait3A_67 = tpu.memref_slice %arg8[%mul3A_58, %dma_wait3A] : memref<8x64xi32, #tpu.memory_space<vmem>> -> memref<1x64xi32, #tpu.memory_space<vmem>>
        %dma_wait3A_68 = tpu.memref_squeeze %dma_wait3A_67 : memref<1x64xi32, #tpu.memory_space<vmem>> -> memref<64xi32, #tpu.memory_space<vmem>>
        %dma_wait3A_69 = arith.constant 0 : i32
        %dma_wait3A_70 = arith.constant 0 : i32
        %dma_wait3A_71 = tpu.memref_slice %arg2[%dma_wait3A_69, %dma_wait3A_70] : memref<10000x128xf32, #tpu.memory_space<hbm>> -> memref<10000x128xf32, #tpu.memory_space<hbm>>
        tpu.wait_indirect_dma semaphore(%arg11 : memref<!tpu.dma_semaphore, #tpu.memory_space<semaphore_mem>>) src(%dma_wait3A_71 : memref<10000x128xf32, #tpu.memory_space<hbm>>) dst(%arg9 : memref<64x128xf32, #tpu.memory_space<vmem>>)
        "tpu.region"() ({
          %run_scoped3A = tpu.sem_alloc : memref<!tpu.dma_semaphore, #tpu.memory_space<semaphore_mem>>
          %dma_start3A_88 = arith.constant 0 : i32
          %dma_start3A_89 = tpu.memref_slice %arg7[%mul3A_58, %dma_start3A_88] : memref<8x64xi32, #tpu.memory_space<vmem>> -> memref<1x64xi32, #tpu.memory_space<vmem>>
          %dma_start3A_90 = tpu.memref_squeeze %dma_start3A_89 : memref<1x64xi32, #tpu.memory_space<vmem>> -> memref<64xi32, #tpu.memory_space<vmem>>
          %dma_start3A_91 = arith.constant 0 : i32
          %dma_start3A_92 = arith.constant 0 : i32
          %dma_start3A_93 = tpu.memref_slice %arg6[%dma_start3A_91, %dma_start3A_92] : memref<10240x128xf32, #tpu.memory_space<vmem_shared>> -> memref<10240x128xf32, #tpu.memory_space<vmem_shared>>
          tpu.enqueue_indirect_dma source(%arg9 : memref<64x128xf32, #tpu.memory_space<vmem>>) target(%dma_start3A_93 : memref<10240x128xf32, #tpu.memory_space<vmem_shared>>) offsets(%dma_start3A_90 : memref<64xi32, #tpu.memory_space<vmem>>) semaphore(%run_scoped3A : memref<!tpu.dma_semaphore, #tpu.memory_space<semaphore_mem>>) {add = true}
          %dma_wait3A_94 = arith.constant 0 : i32
          %dma_wait3A_95 = tpu.memref_slice %arg7[%mul3A_58, %dma_wait3A_94] : memref<8x64xi32, #tpu.memory_space<vmem>> -> memref<1x64xi32, #tpu.memory_space<vmem>>
          %dma_wait3A_96 = tpu.memref_squeeze %dma_wait3A_95 : memref<1x64xi32, #tpu.memory_space<vmem>> -> memref<64xi32, #tpu.memory_space<vmem>>
          %dma_wait3A_97 = arith.constant 0 : i32
          %dma_wait3A_98 = arith.constant 0 : i32
          %dma_wait3A_99 = tpu.memref_slice %arg6[%dma_wait3A_97, %dma_wait3A_98] : memref<10240x128xf32, #tpu.memory_space<vmem_shared>> -> memref<10240x128xf32, #tpu.memory_space<vmem_shared>>
          tpu.wait_indirect_dma semaphore(%run_scoped3A : memref<!tpu.dma_semaphore, #tpu.memory_space<semaphore_mem>>) src(%arg9 : memref<64x128xf32, #tpu.memory_space<vmem>>) dst(%dma_wait3A_99 : memref<10240x128xf32, #tpu.memory_space<vmem_shared>>)
          tpu.yield
        }) : () -> ()
        %add3A_72 = arith.constant 1 : i32
        %add3A_73 = arith.addi %scan3A_55, %add3A_72 : i32
        %lt3A_74 = arith.constant 4 : i32
        %lt3A_75 = arith.cmpi slt, %add3A_73, %lt3A_74 : i32
        %convert_element_type3A = arith.extui %lt3A_75 : i1 to i32
        %cond3A = arith.constant 0 : i32
        %cond3A_76 = arith.cmpi ne, %convert_element_type3A, %cond3A : i32
        scf.if %cond3A_76 {
          %add3A_88 = arith.constant 2 : i32
          %add3A_89 = arith.addi %mul3A_58, %add3A_88 : i32
          %dma_start3A_90 = arith.constant 0 : i32
          %dma_start3A_91 = tpu.memref_slice %arg8[%add3A_89, %dma_start3A_90] : memref<8x64xi32, #tpu.memory_space<vmem>> -> memref<1x64xi32, #tpu.memory_space<vmem>>
          %dma_start3A_92 = tpu.memref_squeeze %dma_start3A_91 : memref<1x64xi32, #tpu.memory_space<vmem>> -> memref<64xi32, #tpu.memory_space<vmem>>
          %dma_start3A_93 = arith.constant 0 : i32
          %dma_start3A_94 = arith.constant 0 : i32
          %dma_start3A_95 = tpu.memref_slice %arg2[%dma_start3A_93, %dma_start3A_94] : memref<10000x128xf32, #tpu.memory_space<hbm>> -> memref<10000x128xf32, #tpu.memory_space<hbm>>
          tpu.enqueue_indirect_dma source(%dma_start3A_95 : memref<10000x128xf32, #tpu.memory_space<hbm>>) target(%arg9 : memref<64x128xf32, #tpu.memory_space<vmem>>) offsets(%dma_start3A_92 : memref<64xi32, #tpu.memory_space<vmem>>) semaphore(%arg11 : memref<!tpu.dma_semaphore, #tpu.memory_space<semaphore_mem>>)
        } else {
        }
        %add3A_77 = arith.constant 1 : i32
        %add3A_78 = arith.addi %mul3A_58, %add3A_77 : i32
        %dma_wait3A_79 = arith.constant 0 : i32
        %dma_wait3A_80 = tpu.memref_slice %arg8[%add3A_78, %dma_wait3A_79] : memref<8x64xi32, #tpu.memory_space<vmem>> -> memref<1x64xi32, #tpu.memory_space<vmem>>
        %dma_wait3A_81 = tpu.memref_squeeze %dma_wait3A_80 : memref<1x64xi32, #tpu.memory_space<vmem>> -> memref<64xi32, #tpu.memory_space<vmem>>
        %dma_wait3A_82 = arith.constant 0 : i32
        %dma_wait3A_83 = arith.constant 0 : i32
        %dma_wait3A_84 = tpu.memref_slice %arg2[%dma_wait3A_82, %dma_wait3A_83] : memref<10000x128xf32, #tpu.memory_space<hbm>> -> memref<10000x128xf32, #tpu.memory_space<hbm>>
        tpu.wait_indirect_dma semaphore(%arg12 : memref<!tpu.dma_semaphore, #tpu.memory_space<semaphore_mem>>) src(%dma_wait3A_84 : memref<10000x128xf32, #tpu.memory_space<hbm>>) dst(%arg10 : memref<64x128xf32, #tpu.memory_space<vmem>>)
        %add3A_85 = arith.constant 1 : i32
        %add3A_86 = arith.addi %mul3A_58, %add3A_85 : i32
        "tpu.region"() ({
          %run_scoped3A = tpu.sem_alloc : memref<!tpu.dma_semaphore, #tpu.memory_space<semaphore_mem>>
          %dma_start3A_88 = arith.constant 0 : i32
          %dma_start3A_89 = tpu.memref_slice %arg7[%add3A_86, %dma_start3A_88] : memref<8x64xi32, #tpu.memory_space<vmem>> -> memref<1x64xi32, #tpu.memory_space<vmem>>
          %dma_start3A_90 = tpu.memref_squeeze %dma_start3A_89 : memref<1x64xi32, #tpu.memory_space<vmem>> -> memref<64xi32, #tpu.memory_space<vmem>>
          %dma_start3A_91 = arith.constant 0 : i32
          %dma_start3A_92 = arith.constant 0 : i32
          %dma_start3A_93 = tpu.memref_slice %arg6[%dma_start3A_91, %dma_start3A_92] : memref<10240x128xf32, #tpu.memory_space<vmem_shared>> -> memref<10240x128xf32, #tpu.memory_space<vmem_shared>>
          tpu.enqueue_indirect_dma source(%arg10 : memref<64x128xf32, #tpu.memory_space<vmem>>) target(%dma_start3A_93 : memref<10240x128xf32, #tpu.memory_space<vmem_shared>>) offsets(%dma_start3A_90 : memref<64xi32, #tpu.memory_space<vmem>>) semaphore(%run_scoped3A : memref<!tpu.dma_semaphore, #tpu.memory_space<semaphore_mem>>) {add = true}
          %dma_wait3A_94 = arith.constant 0 : i32
          %dma_wait3A_95 = tpu.memref_slice %arg7[%add3A_86, %dma_wait3A_94] : memref<8x64xi32, #tpu.memory_space<vmem>> -> memref<1x64xi32, #tpu.memory_space<vmem>>
          %dma_wait3A_96 = tpu.memref_squeeze %dma_wait3A_95 : memref<1x64xi32, #tpu.memory_space<vmem>> -> memref<64xi32, #tpu.memory_space<vmem>>
          %dma_wait3A_97 = arith.constant 0 : i32
          %dma_wait3A_98 = arith.constant 0 : i32
          %dma_wait3A_99 = tpu.memref_slice %arg6[%dma_wait3A_97, %dma_wait3A_98] : memref<10240x128xf32, #tpu.memory_space<vmem_shared>> -> memref<10240x128xf32, #tpu.memory_space<vmem_shared>>
          tpu.wait_indirect_dma semaphore(%run_scoped3A : memref<!tpu.dma_semaphore, #tpu.memory_space<semaphore_mem>>) src(%arg10 : memref<64x128xf32, #tpu.memory_space<vmem>>) dst(%dma_wait3A_99 : memref<10240x128xf32, #tpu.memory_space<vmem_shared>>)
          tpu.yield
        }) : () -> ()
        %scan3A_87 = arith.constant 0 : i32
        scf.yield %scan3A_87 : i32
      }
      %scan3A_53 = arith.constant 4 : i32
      %while3A_54 = arith.constant 0 : i32
      scf.yield %while3A_54 : i32
    }
    %while3A_33 = arith.constant 1 : i32
    %while3A_34 = scf.for %while3A_36 = %while3A_30 to %while3A_26 step %while3A_33 iter_args(%while3A_37 = %while3A_32) -> (i32)  : i32 {
      %add3A_38 = arith.addi %sub3A_21, %while3A_36 : i32
      %mul3A_39 = arith.constant 8 : i32
      %mul3A_40 = arith.muli %add3A_38, %mul3A_39 : i32
      "tpu.region"() ({
        %run_scoped3A = tpu.sem_alloc : memref<!tpu.dma_semaphore, #tpu.memory_space<semaphore_mem>>
        %dma_start3A_55 = arith.constant 0 : i32
        %dma_start3A_56 = tpu.memref_slice %arg3[%mul3A_40, %dma_start3A_55] : memref<5000x64xi32, #tpu.memory_space<hbm>> -> memref<8x64xi32, #tpu.memory_space<hbm>>
        %dma_start3A_57 = arith.constant 0 : i32
        %dma_start3A_58 = tpu.memref_slice %arg3[%mul3A_40, %dma_start3A_57] : memref<5000x64xi32, #tpu.memory_space<hbm>> -> memref<8x64xi32, #tpu.memory_space<hbm>>
        tpu.enqueue_dma source(%dma_start3A_58 : memref<8x64xi32, #tpu.memory_space<hbm>>) target(%arg7 : memref<8x64xi32, #tpu.memory_space<vmem>>) target_semaphore(%run_scoped3A : memref<!tpu.dma_semaphore, #tpu.memory_space<semaphore_mem>>)
        %dma_wait3A = arith.constant 0 : i32
        %dma_wait3A_59 = tpu.memref_slice %arg3[%mul3A_40, %dma_wait3A] : memref<5000x64xi32, #tpu.memory_space<hbm>> -> memref<8x64xi32, #tpu.memory_space<hbm>>
        %dma_wait3A_60 = arith.constant 0 : i32
        %dma_wait3A_61 = tpu.memref_slice %arg3[%mul3A_40, %dma_wait3A_60] : memref<5000x64xi32, #tpu.memory_space<hbm>> -> memref<8x64xi32, #tpu.memory_space<hbm>>
        tpu.wait_dma2 semaphore(%run_scoped3A : memref<!tpu.dma_semaphore, #tpu.memory_space<semaphore_mem>>) src(%dma_wait3A_61 : memref<8x64xi32, #tpu.memory_space<hbm>>) dst(%arg7 : memref<8x64xi32, #tpu.memory_space<vmem>>)
        tpu.yield
      }) : () -> ()
      "tpu.region"() ({
        %run_scoped3A = tpu.sem_alloc : memref<!tpu.dma_semaphore, #tpu.memory_space<semaphore_mem>>
        %dma_start3A_55 = arith.constant 0 : i32
        %dma_start3A_56 = tpu.memref_slice %arg4[%mul3A_40, %dma_start3A_55] : memref<5000x64xi32, #tpu.memory_space<hbm>> -> memref<8x64xi32, #tpu.memory_space<hbm>>
        %dma_start3A_57 = arith.constant 0 : i32
        %dma_start3A_58 = tpu.memref_slice %arg4[%mul3A_40, %dma_start3A_57] : memref<5000x64xi32, #tpu.memory_space<hbm>> -> memref<8x64xi32, #tpu.memory_space<hbm>>
        tpu.enqueue_dma source(%dma_start3A_58 : memref<8x64xi32, #tpu.memory_space<hbm>>) target(%arg8 : memref<8x64xi32, #tpu.memory_space<vmem>>) target_semaphore(%run_scoped3A : memref<!tpu.dma_semaphore, #tpu.memory_space<semaphore_mem>>)
        %dma_wait3A = arith.constant 0 : i32
        %dma_wait3A_59 = tpu.memref_slice %arg4[%mul3A_40, %dma_wait3A] : memref<5000x64xi32, #tpu.memory_space<hbm>> -> memref<8x64xi32, #tpu.memory_space<hbm>>
        %dma_wait3A_60 = arith.constant 0 : i32
        %dma_wait3A_61 = tpu.memref_slice %arg4[%mul3A_40, %dma_wait3A_60] : memref<5000x64xi32, #tpu.memory_space<hbm>> -> memref<8x64xi32, #tpu.memory_space<hbm>>
        tpu.wait_dma2 semaphore(%run_scoped3A : memref<!tpu.dma_semaphore, #tpu.memory_space<semaphore_mem>>) src(%dma_wait3A_61 : memref<8x64xi32, #tpu.memory_space<hbm>>) dst(%arg8 : memref<8x64xi32, #tpu.memory_space<vmem>>)
        tpu.yield
      }) : () -> ()
      %dma_start3A = arith.constant 0 : i32
      %dma_start3A_41 = arith.constant 0 : i32
      %dma_start3A_42 = tpu.memref_slice %arg8[%dma_start3A, %dma_start3A_41] : memref<8x64xi32, #tpu.memory_space<vmem>> -> memref<1x64xi32, #tpu.memory_space<vmem>>
      %dma_start3A_43 = tpu.memref_squeeze %dma_start3A_42 : memref<1x64xi32, #tpu.memory_space<vmem>> -> memref<64xi32, #tpu.memory_space<vmem>>
      %dma_start3A_44 = arith.constant 0 : i32
      %dma_start3A_45 = arith.constant 0 : i32
      %dma_start3A_46 = tpu.memref_slice %arg2[%dma_start3A_44, %dma_start3A_45] : memref<10000x128xf32, #tpu.memory_space<hbm>> -> memref<10000x128xf32, #tpu.memory_space<hbm>>
      tpu.enqueue_indirect_dma source(%dma_start3A_46 : memref<10000x128xf32, #tpu.memory_space<hbm>>) target(%arg9 : memref<64x128xf32, #tpu.memory_space<vmem>>) offsets(%dma_start3A_43 : memref<64xi32, #tpu.memory_space<vmem>>) semaphore(%arg11 : memref<!tpu.dma_semaphore, #tpu.memory_space<semaphore_mem>>)
      %scan3A_47 = arith.constant 0 : i32
      %scan3A_48 = arith.constant 0 : i32
      %scan3A_49 = arith.constant 4 : i32
      %scan3A_50 = arith.addi %scan3A_48, %scan3A_49 : i32
      %scan3A_51 = arith.constant 1 : i32
      %scan3A_52 = scf.for %scan3A_55 = %scan3A_48 to %scan3A_50 step %scan3A_51 iter_args(%scan3A_56 = %scan3A_47) -> (i32)  : i32 {
        %mul3A_57 = arith.constant 2 : i32
        %mul3A_58 = arith.muli %scan3A_55, %mul3A_57 : i32
        %add3A_59 = arith.constant 1 : i32
        %add3A_60 = arith.addi %mul3A_58, %add3A_59 : i32
        %dma_start3A_61 = arith.constant 0 : i32
        %dma_start3A_62 = tpu.memref_slice %arg8[%add3A_60, %dma_start3A_61] : memref<8x64xi32, #tpu.memory_space<vmem>> -> memref<1x64xi32, #tpu.memory_space<vmem>>
        %dma_start3A_63 = tpu.memref_squeeze %dma_start3A_62 : memref<1x64xi32, #tpu.memory_space<vmem>> -> memref<64xi32, #tpu.memory_space<vmem>>
        %dma_start3A_64 = arith.constant 0 : i32
        %dma_start3A_65 = arith.constant 0 : i32
        %dma_start3A_66 = tpu.memref_slice %arg2[%dma_start3A_64, %dma_start3A_65] : memref<10000x128xf32, #tpu.memory_space<hbm>> -> memref<10000x128xf32, #tpu.memory_space<hbm>>
        tpu.enqueue_indirect_dma source(%dma_start3A_66 : memref<10000x128xf32, #tpu.memory_space<hbm>>) target(%arg10 : memref<64x128xf32, #tpu.memory_space<vmem>>) offsets(%dma_start3A_63 : memref<64xi32, #tpu.memory_space<vmem>>) semaphore(%arg12 : memref<!tpu.dma_semaphore, #tpu.memory_space<semaphore_mem>>)
        %dma_wait3A = arith.constant 0 : i32
        %dma_wait3A_67 = tpu.memref_slice %arg8[%mul3A_58, %dma_wait3A] : memref<8x64xi32, #tpu.memory_space<vmem>> -> memref<1x64xi32, #tpu.memory_space<vmem>>
        %dma_wait3A_68 = tpu.memref_squeeze %dma_wait3A_67 : memref<1x64xi32, #tpu.memory_space<vmem>> -> memref<64xi32, #tpu.memory_space<vmem>>
        %dma_wait3A_69 = arith.constant 0 : i32
        %dma_wait3A_70 = arith.constant 0 : i32
        %dma_wait3A_71 = tpu.memref_slice %arg2[%dma_wait3A_69, %dma_wait3A_70] : memref<10000x128xf32, #tpu.memory_space<hbm>> -> memref<10000x128xf32, #tpu.memory_space<hbm>>
        tpu.wait_indirect_dma semaphore(%arg11 : memref<!tpu.dma_semaphore, #tpu.memory_space<semaphore_mem>>) src(%dma_wait3A_71 : memref<10000x128xf32, #tpu.memory_space<hbm>>) dst(%arg9 : memref<64x128xf32, #tpu.memory_space<vmem>>)
        "tpu.region"() ({
          %run_scoped3A = tpu.sem_alloc : memref<!tpu.dma_semaphore, #tpu.memory_space<semaphore_mem>>
          %dma_start3A_88 = arith.constant 0 : i32
          %dma_start3A_89 = tpu.memref_slice %arg7[%mul3A_58, %dma_start3A_88] : memref<8x64xi32, #tpu.memory_space<vmem>> -> memref<1x64xi32, #tpu.memory_space<vmem>>
          %dma_start3A_90 = tpu.memref_squeeze %dma_start3A_89 : memref<1x64xi32, #tpu.memory_space<vmem>> -> memref<64xi32, #tpu.memory_space<vmem>>
          %dma_start3A_91 = arith.constant 0 : i32
          %dma_start3A_92 = arith.constant 0 : i32
          %dma_start3A_93 = tpu.memref_slice %arg6[%dma_start3A_91, %dma_start3A_92] : memref<10240x128xf32, #tpu.memory_space<vmem_shared>> -> memref<10240x128xf32, #tpu.memory_space<vmem_shared>>
          tpu.enqueue_indirect_dma source(%arg9 : memref<64x128xf32, #tpu.memory_space<vmem>>) target(%dma_start3A_93 : memref<10240x128xf32, #tpu.memory_space<vmem_shared>>) offsets(%dma_start3A_90 : memref<64xi32, #tpu.memory_space<vmem>>) semaphore(%run_scoped3A : memref<!tpu.dma_semaphore, #tpu.memory_space<semaphore_mem>>) {add = true}
          %dma_wait3A_94 = arith.constant 0 : i32
          %dma_wait3A_95 = tpu.memref_slice %arg7[%mul3A_58, %dma_wait3A_94] : memref<8x64xi32, #tpu.memory_space<vmem>> -> memref<1x64xi32, #tpu.memory_space<vmem>>
          %dma_wait3A_96 = tpu.memref_squeeze %dma_wait3A_95 : memref<1x64xi32, #tpu.memory_space<vmem>> -> memref<64xi32, #tpu.memory_space<vmem>>
          %dma_wait3A_97 = arith.constant 0 : i32
          %dma_wait3A_98 = arith.constant 0 : i32
          %dma_wait3A_99 = tpu.memref_slice %arg6[%dma_wait3A_97, %dma_wait3A_98] : memref<10240x128xf32, #tpu.memory_space<vmem_shared>> -> memref<10240x128xf32, #tpu.memory_space<vmem_shared>>
          tpu.wait_indirect_dma semaphore(%run_scoped3A : memref<!tpu.dma_semaphore, #tpu.memory_space<semaphore_mem>>) src(%arg9 : memref<64x128xf32, #tpu.memory_space<vmem>>) dst(%dma_wait3A_99 : memref<10240x128xf32, #tpu.memory_space<vmem_shared>>)
          tpu.yield
        }) : () -> ()
        %add3A_72 = arith.constant 1 : i32
        %add3A_73 = arith.addi %scan3A_55, %add3A_72 : i32
        %lt3A_74 = arith.constant 4 : i32
        %lt3A_75 = arith.cmpi slt, %add3A_73, %lt3A_74 : i32
        %convert_element_type3A = arith.extui %lt3A_75 : i1 to i32
        %cond3A = arith.constant 0 : i32
        %cond3A_76 = arith.cmpi ne, %convert_element_type3A, %cond3A : i32
        scf.if %cond3A_76 {
          %add3A_88 = arith.constant 2 : i32
          %add3A_89 = arith.addi %mul3A_58, %add3A_88 : i32
          %dma_start3A_90 = arith.constant 0 : i32
          %dma_start3A_91 = tpu.memref_slice %arg8[%add3A_89, %dma_start3A_90] : memref<8x64xi32, #tpu.memory_space<vmem>> -> memref<1x64xi32, #tpu.memory_space<vmem>>
          %dma_start3A_92 = tpu.memref_squeeze %dma_start3A_91 : memref<1x64xi32, #tpu.memory_space<vmem>> -> memref<64xi32, #tpu.memory_space<vmem>>
          %dma_start3A_93 = arith.constant 0 : i32
          %dma_start3A_94 = arith.constant 0 : i32
          %dma_start3A_95 = tpu.memref_slice %arg2[%dma_start3A_93, %dma_start3A_94] : memref<10000x128xf32, #tpu.memory_space<hbm>> -> memref<10000x128xf32, #tpu.memory_space<hbm>>
          tpu.enqueue_indirect_dma source(%dma_start3A_95 : memref<10000x128xf32, #tpu.memory_space<hbm>>) target(%arg9 : memref<64x128xf32, #tpu.memory_space<vmem>>) offsets(%dma_start3A_92 : memref<64xi32, #tpu.memory_space<vmem>>) semaphore(%arg11 : memref<!tpu.dma_semaphore, #tpu.memory_space<semaphore_mem>>)
        } else {
        }
        %add3A_77 = arith.constant 1 : i32
        %add3A_78 = arith.addi %mul3A_58, %add3A_77 : i32
        %dma_wait3A_79 = arith.constant 0 : i32
        %dma_wait3A_80 = tpu.memref_slice %arg8[%add3A_78, %dma_wait3A_79] : memref<8x64xi32, #tpu.memory_space<vmem>> -> memref<1x64xi32, #tpu.memory_space<vmem>>
        %dma_wait3A_81 = tpu.memref_squeeze %dma_wait3A_80 : memref<1x64xi32, #tpu.memory_space<vmem>> -> memref<64xi32, #tpu.memory_space<vmem>>
        %dma_wait3A_82 = arith.constant 0 : i32
        %dma_wait3A_83 = arith.constant 0 : i32
        %dma_wait3A_84 = tpu.memref_slice %arg2[%dma_wait3A_82, %dma_wait3A_83] : memref<10000x128xf32, #tpu.memory_space<hbm>> -> memref<10000x128xf32, #tpu.memory_space<hbm>>
        tpu.wait_indirect_dma semaphore(%arg12 : memref<!tpu.dma_semaphore, #tpu.memory_space<semaphore_mem>>) src(%dma_wait3A_84 : memref<10000x128xf32, #tpu.memory_space<hbm>>) dst(%arg10 : memref<64x128xf32, #tpu.memory_space<vmem>>)
        %add3A_85 = arith.constant 1 : i32
        %add3A_86 = arith.addi %mul3A_58, %add3A_85 : i32
        "tpu.region"() ({
          %run_scoped3A = tpu.sem_alloc : memref<!tpu.dma_semaphore, #tpu.memory_space<semaphore_mem>>
          %dma_start3A_88 = arith.constant 0 : i32
          %dma_start3A_89 = tpu.memref_slice %arg7[%add3A_86, %dma_start3A_88] : memref<8x64xi32, #tpu.memory_space<vmem>> -> memref<1x64xi32, #tpu.memory_space<vmem>>
          %dma_start3A_90 = tpu.memref_squeeze %dma_start3A_89 : memref<1x64xi32, #tpu.memory_space<vmem>> -> memref<64xi32, #tpu.memory_space<vmem>>
          %dma_start3A_91 = arith.constant 0 : i32
          %dma_start3A_92 = arith.constant 0 : i32
          %dma_start3A_93 = tpu.memref_slice %arg6[%dma_start3A_91, %dma_start3A_92] : memref<10240x128xf32, #tpu.memory_space<vmem_shared>> -> memref<10240x128xf32, #tpu.memory_space<vmem_shared>>
          tpu.enqueue_indirect_dma source(%arg10 : memref<64x128xf32, #tpu.memory_space<vmem>>) target(%dma_start3A_93 : memref<10240x128xf32, #tpu.memory_space<vmem_shared>>) offsets(%dma_start3A_90 : memref<64xi32, #tpu.memory_space<vmem>>) semaphore(%run_scoped3A : memref<!tpu.dma_semaphore, #tpu.memory_space<semaphore_mem>>) {add = true}
          %dma_wait3A_94 = arith.constant 0 : i32
          %dma_wait3A_95 = tpu.memref_slice %arg7[%add3A_86, %dma_wait3A_94] : memref<8x64xi32, #tpu.memory_space<vmem>> -> memref<1x64xi32, #tpu.memory_space<vmem>>
          %dma_wait3A_96 = tpu.memref_squeeze %dma_wait3A_95 : memref<1x64xi32, #tpu.memory_space<vmem>> -> memref<64xi32, #tpu.memory_space<vmem>>
          %dma_wait3A_97 = arith.constant 0 : i32
          %dma_wait3A_98 = arith.constant 0 : i32
          %dma_wait3A_99 = tpu.memref_slice %arg6[%dma_wait3A_97, %dma_wait3A_98] : memref<10240x128xf32, #tpu.memory_space<vmem_shared>> -> memref<10240x128xf32, #tpu.memory_space<vmem_shared>>
          tpu.wait_indirect_dma semaphore(%run_scoped3A : memref<!tpu.dma_semaphore, #tpu.memory_space<semaphore_mem>>) src(%arg10 : memref<64x128xf32, #tpu.memory_space<vmem>>) dst(%dma_wait3A_99 : memref<10240x128xf32, #tpu.memory_space<vmem_shared>>)
          tpu.yield
        }) : () -> ()
        %scan3A_87 = arith.constant 0 : i32
        scf.yield %scan3A_87 : i32
      }
      %scan3A_53 = arith.constant 4 : i32
      %while3A_54 = arith.constant 0 : i32
      scf.yield %while3A_54 : i32
    }
    %barrier3A_35 = arith.constant 0 : index
    tpu.barrier barrier_id(%barrier3A_35)
    "tpu.region"() ({
      %run_scoped3A = tpu.sem_alloc : memref<!tpu.dma_semaphore, #tpu.memory_space<semaphore_mem>>
      %dma_start3A = arith.constant 0 : i32
      %dma_start3A_36 = tpu.memref_slice %arg5[%arg0, %mul3A_7, %dma_start3A] : memref<2x10240x128xf32, #tpu.memory_space<hbm>> -> memref<1x640x128xf32, #tpu.memory_space<hbm>>
      %dma_start3A_37 = tpu.memref_squeeze %dma_start3A_36 : memref<1x640x128xf32, #tpu.memory_space<hbm>> -> memref<640x128xf32, #tpu.memory_space<hbm>>
      %dma_start3A_38 = arith.constant 0 : i32
      %dma_start3A_39 = tpu.memref_slice %arg6[%mul3A_7, %dma_start3A_38] : memref<10240x128xf32, #tpu.memory_space<vmem_shared>> -> memref<640x128xf32, #tpu.memory_space<vmem_shared>>
      tpu.enqueue_dma source(%dma_start3A_39 : memref<640x128xf32, #tpu.memory_space<vmem_shared>>) target(%dma_start3A_37 : memref<640x128xf32, #tpu.memory_space<hbm>>) target_semaphore(%run_scoped3A : memref<!tpu.dma_semaphore, #tpu.memory_space<semaphore_mem>>)
      %dma_wait3A = arith.constant 0 : i32
      %dma_wait3A_40 = tpu.memref_slice %arg5[%arg0, %mul3A_7, %dma_wait3A] : memref<2x10240x128xf32, #tpu.memory_space<hbm>> -> memref<1x640x128xf32, #tpu.memory_space<hbm>>
      %dma_wait3A_41 = tpu.memref_squeeze %dma_wait3A_40 : memref<1x640x128xf32, #tpu.memory_space<hbm>> -> memref<640x128xf32, #tpu.memory_space<hbm>>
      %dma_wait3A_42 = arith.constant 0 : i32
      %dma_wait3A_43 = tpu.memref_slice %arg6[%mul3A_7, %dma_wait3A_42] : memref<10240x128xf32, #tpu.memory_space<vmem_shared>> -> memref<640x128xf32, #tpu.memory_space<vmem_shared>>
      tpu.wait_dma2 semaphore(%run_scoped3A : memref<!tpu.dma_semaphore, #tpu.memory_space<semaphore_mem>>) src(%dma_wait3A_43 : memref<640x128xf32, #tpu.memory_space<vmem_shared>>) dst(%dma_wait3A_41 : memref<640x128xf32, #tpu.memory_space<hbm>>)
      tpu.yield
    }) : () -> ()
    return
  }
}

#map = affine_map<(d0, d1) -> (0, 0)>
#map1 = affine_map<(d0, d1) -> (0, 0, 0)>
module attributes {stable_mosaic.version = 14 : i64} {
  func.func @_agg_body(%arg0: i32, %arg1: i32, %arg2: memref<10000x128xf32, #tpu.memory_space<hbm>>, %arg3: memref<5000x64xi32, #tpu.memory_space<hbm>>, %arg4: memref<5000x64xi32, #tpu.memory_space<hbm>>, %arg5: memref<2x10240x128xf32, #tpu.memory_space<hbm>>, %arg6: memref<10240x128xf32, #tpu.memory_space<vmem_shared>>, %arg7: memref<8x64xi32, #tpu.memory_space<vmem>>, %arg8: memref<8x64xi32, #tpu.memory_space<vmem>>, %arg9: memref<64x128xf32, #tpu.memory_space<vmem>>, %arg10: memref<64x128xf32, #tpu.memory_space<vmem>>, %arg11: memref<!tpu.dma_semaphore, #tpu.memory_space<semaphore_mem>>, %arg12: memref<!tpu.dma_semaphore, #tpu.memory_space<semaphore_mem>>) attributes {dimension_semantics = [#tpu.dimension_semantics<core_parallel>, #tpu.dimension_semantics<subcore_parallel>], iteration_bounds = array<i64: 2, 16>, scalar_prefetch = 0 : i64, scratch_operands = 7 : i64, tpu.core_type = #tpu.core_type<sc_vector_subcore>, window_params = [{transform_indices = #map}, {transform_indices = #map}, {transform_indices = #map}, {transform_indices = #map1}]} {
    %broadcast_in_dim3A = arith.constant 0.000000e+00 : f32
    %broadcast_in_dim3A_0 = vector.broadcast %broadcast_in_dim3A : f32 to vector<16xf32>
    %scan3A = arith.constant 0 : i32
    %scan3A_1 = arith.constant 0 : i32
    %scan3A_2 = arith.constant 64 : i32
    %scan3A_3 = arith.addi %scan3A_1, %scan3A_2 : i32
    %scan3A_4 = arith.constant 1 : i32
    %scan3A_5 = scf.for %scan3A_36 = %scan3A_1 to %scan3A_3 step %scan3A_4 iter_args(%scan3A_37 = %scan3A) -> (i32)  : i32 {
      %swap3A = arith.index_cast %scan3A_36 : i32 to index
      %swap3A_38 = arith.constant 0 : index
      %swap3A_39 = tpu.vector_load %arg9[%swap3A, %swap3A_38] {strides = array<i32>} : memref<64x128xf32, #tpu.memory_space<vmem>>, vector<1x16xf32>,
      %swap3A_40 = vector.shape_cast %swap3A_39 : vector<1x16xf32> to vector<16xf32>
      %swap3A_41 = vector.shape_cast %broadcast_in_dim3A_0 : vector<16xf32> to vector<1x16xf32>
      tpu.vector_store %arg9[%swap3A, %swap3A_38], %swap3A_41 {strides = array<i32>} : memref<64x128xf32, #tpu.memory_space<vmem>>, vector<1x16xf32>,
      %swap3A_42 = arith.index_cast %scan3A_36 : i32 to index
      %swap3A_43 = arith.constant 16 : index
      %swap3A_44 = tpu.vector_load %arg9[%swap3A_42, %swap3A_43] {strides = array<i32>} : memref<64x128xf32, #tpu.memory_space<vmem>>, vector<1x16xf32>,
      %swap3A_45 = vector.shape_cast %swap3A_44 : vector<1x16xf32> to vector<16xf32>
      %swap3A_46 = vector.shape_cast %broadcast_in_dim3A_0 : vector<16xf32> to vector<1x16xf32>
      tpu.vector_store %arg9[%swap3A_42, %swap3A_43], %swap3A_46 {strides = array<i32>} : memref<64x128xf32, #tpu.memory_space<vmem>>, vector<1x16xf32>,
      %swap3A_47 = arith.index_cast %scan3A_36 : i32 to index
      %swap3A_48 = arith.constant 32 : index
      %swap3A_49 = tpu.vector_load %arg9[%swap3A_47, %swap3A_48] {strides = array<i32>} : memref<64x128xf32, #tpu.memory_space<vmem>>, vector<1x16xf32>,
      %swap3A_50 = vector.shape_cast %swap3A_49 : vector<1x16xf32> to vector<16xf32>
      %swap3A_51 = vector.shape_cast %broadcast_in_dim3A_0 : vector<16xf32> to vector<1x16xf32>
      tpu.vector_store %arg9[%swap3A_47, %swap3A_48], %swap3A_51 {strides = array<i32>} : memref<64x128xf32, #tpu.memory_space<vmem>>, vector<1x16xf32>,
      %swap3A_52 = arith.index_cast %scan3A_36 : i32 to index
      %swap3A_53 = arith.constant 48 : index
      %swap3A_54 = tpu.vector_load %arg9[%swap3A_52, %swap3A_53] {strides = array<i32>} : memref<64x128xf32, #tpu.memory_space<vmem>>, vector<1x16xf32>,
      %swap3A_55 = vector.shape_cast %swap3A_54 : vector<1x16xf32> to vector<16xf32>
      %swap3A_56 = vector.shape_cast %broadcast_in_dim3A_0 : vector<16xf32> to vector<1x16xf32>
      tpu.vector_store %arg9[%swap3A_52, %swap3A_53], %swap3A_56 {strides = array<i32>} : memref<64x128xf32, #tpu.memory_space<vmem>>, vector<1x16xf32>,
      %swap3A_57 = arith.index_cast %scan3A_36 : i32 to index
      %swap3A_58 = arith.constant 64 : index
      %swap3A_59 = tpu.vector_load %arg9[%swap3A_57, %swap3A_58] {strides = array<i32>} : memref<64x128xf32, #tpu.memory_space<vmem>>, vector<1x16xf32>,
      %swap3A_60 = vector.shape_cast %swap3A_59 : vector<1x16xf32> to vector<16xf32>
      %swap3A_61 = vector.shape_cast %broadcast_in_dim3A_0 : vector<16xf32> to vector<1x16xf32>
      tpu.vector_store %arg9[%swap3A_57, %swap3A_58], %swap3A_61 {strides = array<i32>} : memref<64x128xf32, #tpu.memory_space<vmem>>, vector<1x16xf32>,
      %swap3A_62 = arith.index_cast %scan3A_36 : i32 to index
      %swap3A_63 = arith.constant 80 : index
      %swap3A_64 = tpu.vector_load %arg9[%swap3A_62, %swap3A_63] {strides = array<i32>} : memref<64x128xf32, #tpu.memory_space<vmem>>, vector<1x16xf32>,
      %swap3A_65 = vector.shape_cast %swap3A_64 : vector<1x16xf32> to vector<16xf32>
      %swap3A_66 = vector.shape_cast %broadcast_in_dim3A_0 : vector<16xf32> to vector<1x16xf32>
      tpu.vector_store %arg9[%swap3A_62, %swap3A_63], %swap3A_66 {strides = array<i32>} : memref<64x128xf32, #tpu.memory_space<vmem>>, vector<1x16xf32>,
      %swap3A_67 = arith.index_cast %scan3A_36 : i32 to index
      %swap3A_68 = arith.constant 96 : index
      %swap3A_69 = tpu.vector_load %arg9[%swap3A_67, %swap3A_68] {strides = array<i32>} : memref<64x128xf32, #tpu.memory_space<vmem>>, vector<1x16xf32>,
      %swap3A_70 = vector.shape_cast %swap3A_69 : vector<1x16xf32> to vector<16xf32>
      %swap3A_71 = vector.shape_cast %broadcast_in_dim3A_0 : vector<16xf32> to vector<1x16xf32>
      tpu.vector_store %arg9[%swap3A_67, %swap3A_68], %swap3A_71 {strides = array<i32>} : memref<64x128xf32, #tpu.memory_space<vmem>>, vector<1x16xf32>,
      %swap3A_72 = arith.index_cast %scan3A_36 : i32 to index
      %swap3A_73 = arith.constant 112 : index
      %swap3A_74 = tpu.vector_load %arg9[%swap3A_72, %swap3A_73] {strides = array<i32>} : memref<64x128xf32, #tpu.memory_space<vmem>>, vector<1x16xf32>,
      %swap3A_75 = vector.shape_cast %swap3A_74 : vector<1x16xf32> to vector<16xf32>
      %swap3A_76 = vector.shape_cast %broadcast_in_dim3A_0 : vector<16xf32> to vector<1x16xf32>
      tpu.vector_store %arg9[%swap3A_72, %swap3A_73], %swap3A_76 {strides = array<i32>} : memref<64x128xf32, #tpu.memory_space<vmem>>, vector<1x16xf32>,
      %scan3A_77 = arith.constant 0 : i32
      scf.yield %scan3A_77 : i32
    }
    %scan3A_6 = arith.constant 64 : i32
    %mul3A = arith.constant 640 : i32
    %mul3A_7 = arith.muli %arg1, %mul3A : i32
    %scan3A_8 = arith.constant 0 : i32
    %scan3A_9 = arith.constant 0 : i32
    %scan3A_10 = arith.constant 10 : i32
    %scan3A_11 = arith.addi %scan3A_9, %scan3A_10 : i32
    %scan3A_12 = arith.constant 1 : i32
    %scan3A_13 = scf.for %scan3A_36 = %scan3A_9 to %scan3A_11 step %scan3A_12 iter_args(%scan3A_37 = %scan3A_8) -> (i32)  : i32 {
      %mul3A_38 = arith.constant 64 : i32
      %mul3A_39 = arith.muli %scan3A_36, %mul3A_38 : i32
      %add3A_40 = arith.addi %mul3A_7, %mul3A_39 : i32
      "tpu.region"() ({
        %run_scoped3A = tpu.sem_alloc : memref<!tpu.dma_semaphore, #tpu.memory_space<semaphore_mem>>
        %dma_start3A = arith.constant 0 : i32
        %dma_start3A_42 = tpu.memref_slice %arg6[%add3A_40, %dma_start3A] : memref<10240x128xf32, #tpu.memory_space<vmem_shared>> -> memref<64x128xf32, #tpu.memory_space<vmem_shared>>
        %dma_start3A_43 = arith.constant 0 : i32
        %dma_start3A_44 = tpu.memref_slice %arg6[%add3A_40, %dma_start3A_43] : memref<10240x128xf32, #tpu.memory_space<vmem_shared>> -> memref<64x128xf32, #tpu.memory_space<vmem_shared>>
        tpu.enqueue_dma source(%arg9 : memref<64x128xf32, #tpu.memory_space<vmem>>) target(%dma_start3A_44 : memref<64x128xf32, #tpu.memory_space<vmem_shared>>) target_semaphore(%run_scoped3A : memref<!tpu.dma_semaphore, #tpu.memory_space<semaphore_mem>>)
        %dma_wait3A = arith.constant 0 : i32
        %dma_wait3A_45 = tpu.memref_slice %arg6[%add3A_40, %dma_wait3A] : memref<10240x128xf32, #tpu.memory_space<vmem_shared>> -> memref<64x128xf32, #tpu.memory_space<vmem_shared>>
        %dma_wait3A_46 = arith.constant 0 : i32
        %dma_wait3A_47 = tpu.memref_slice %arg6[%add3A_40, %dma_wait3A_46] : memref<10240x128xf32, #tpu.memory_space<vmem_shared>> -> memref<64x128xf32, #tpu.memory_space<vmem_shared>>
        tpu.wait_dma2 semaphore(%run_scoped3A : memref<!tpu.dma_semaphore, #tpu.memory_space<semaphore_mem>>) src(%arg9 : memref<64x128xf32, #tpu.memory_space<vmem>>) dst(%dma_wait3A_47 : memref<64x128xf32, #tpu.memory_space<vmem_shared>>)
        tpu.yield
      }) : () -> ()
      %scan3A_41 = arith.constant 0 : i32
      scf.yield %scan3A_41 : i32
    }
    %scan3A_14 = arith.constant 10 : i32
    %barrier3A = arith.constant 0 : index
    tpu.barrier barrier_id(%barrier3A)
    %mul3A_15 = arith.constant 16 : i32
    %mul3A_16 = arith.muli %arg0, %mul3A_15 : i32
    %add3A = arith.addi %mul3A_16, %arg1 : i32
    %mul3A_17 = arith.constant 20 : i32
    %mul3A_18 = arith.muli %mul3A_17, %add3A : i32
    %sub3A = arith.constant 17 : i32
    %sub3A_19 = arith.subi %add3A, %sub3A : i32
    %max3A = arith.constant 0 : i32
    %max3A_20 = arith.maxsi %sub3A_19, %max3A : i32
    %sub3A_21 = arith.subi %mul3A_18, %max3A_20 : i32
    %lt3A = arith.constant 17 : i32
    %lt3A_22 = arith.cmpi slt, %add3A, %lt3A : i32
    %jit3A = arith.constant 20 : i32
    %jit3A_23 = arith.constant 19 : i32
    %select_n3A = arith.select %lt3A_22, %jit3A, %jit3A_23 : i32
    %while3A = arith.constant 0 : i32
    %while3A_24 = arith.constant 0 : i32
    %while3A_25 = arith.subi %select_n3A, %while3A : i32
    %while3A_26 = arith.addi %while3A, %while3A_25 : i32
    %while3A_27 = arith.constant 1 : i32
    %while3A_28 = arith.divsi %while3A_25, %while3A_27 : i32
    %while3A_29 = arith.muli %while3A_28, %while3A_27 : i32
    %while3A_30 = arith.addi %while3A, %while3A_29 : i32
    %while3A_31 = arith.constant 1 : i32
    %while3A_32 = scf.for %while3A_36 = %while3A to %while3A_30 step %while3A_31 iter_args(%while3A_37 = %while3A_24) -> (i32)  : i32 {
      %add3A_38 = arith.addi %sub3A_21, %while3A_36 : i32
      %mul3A_39 = arith.constant 8 : i32
      %mul3A_40 = arith.muli %add3A_38, %mul3A_39 : i32
      "tpu.region"() ({
        %run_scoped3A = tpu.sem_alloc : memref<!tpu.dma_semaphore, #tpu.memory_space<semaphore_mem>>
        %dma_start3A_55 = arith.constant 0 : i32
        %dma_start3A_56 = tpu.memref_slice %arg3[%mul3A_40, %dma_start3A_55] : memref<5000x64xi32, #tpu.memory_space<hbm>> -> memref<8x64xi32, #tpu.memory_space<hbm>>
        %dma_start3A_57 = arith.constant 0 : i32
        %dma_start3A_58 = tpu.memref_slice %arg3[%mul3A_40, %dma_start3A_57] : memref<5000x64xi32, #tpu.memory_space<hbm>> -> memref<8x64xi32, #tpu.memory_space<hbm>>
        tpu.enqueue_dma source(%dma_start3A_58 : memref<8x64xi32, #tpu.memory_space<hbm>>) target(%arg7 : memref<8x64xi32, #tpu.memory_space<vmem>>) target_semaphore(%run_scoped3A : memref<!tpu.dma_semaphore, #tpu.memory_space<semaphore_mem>>)
        %dma_wait3A = arith.constant 0 : i32
        %dma_wait3A_59 = tpu.memref_slice %arg3[%mul3A_40, %dma_wait3A] : memref<5000x64xi32, #tpu.memory_space<hbm>> -> memref<8x64xi32, #tpu.memory_space<hbm>>
        %dma_wait3A_60 = arith.constant 0 : i32
        %dma_wait3A_61 = tpu.memref_slice %arg3[%mul3A_40, %dma_wait3A_60] : memref<5000x64xi32, #tpu.memory_space<hbm>> -> memref<8x64xi32, #tpu.memory_space<hbm>>
        tpu.wait_dma2 semaphore(%run_scoped3A : memref<!tpu.dma_semaphore, #tpu.memory_space<semaphore_mem>>) src(%dma_wait3A_61 : memref<8x64xi32, #tpu.memory_space<hbm>>) dst(%arg7 : memref<8x64xi32, #tpu.memory_space<vmem>>)
        tpu.yield
      }) : () -> ()
      "tpu.region"() ({
        %run_scoped3A = tpu.sem_alloc : memref<!tpu.dma_semaphore, #tpu.memory_space<semaphore_mem>>
        %dma_start3A_55 = arith.constant 0 : i32
        %dma_start3A_56 = tpu.memref_slice %arg4[%mul3A_40, %dma_start3A_55] : memref<5000x64xi32, #tpu.memory_space<hbm>> -> memref<8x64xi32, #tpu.memory_space<hbm>>
        %dma_start3A_57 = arith.constant 0 : i32
        %dma_start3A_58 = tpu.memref_slice %arg4[%mul3A_40, %dma_start3A_57] : memref<5000x64xi32, #tpu.memory_space<hbm>> -> memref<8x64xi32, #tpu.memory_space<hbm>>
        tpu.enqueue_dma source(%dma_start3A_58 : memref<8x64xi32, #tpu.memory_space<hbm>>) target(%arg8 : memref<8x64xi32, #tpu.memory_space<vmem>>) target_semaphore(%run_scoped3A : memref<!tpu.dma_semaphore, #tpu.memory_space<semaphore_mem>>)
        %dma_wait3A = arith.constant 0 : i32
        %dma_wait3A_59 = tpu.memref_slice %arg4[%mul3A_40, %dma_wait3A] : memref<5000x64xi32, #tpu.memory_space<hbm>> -> memref<8x64xi32, #tpu.memory_space<hbm>>
        %dma_wait3A_60 = arith.constant 0 : i32
        %dma_wait3A_61 = tpu.memref_slice %arg4[%mul3A_40, %dma_wait3A_60] : memref<5000x64xi32, #tpu.memory_space<hbm>> -> memref<8x64xi32, #tpu.memory_space<hbm>>
        tpu.wait_dma2 semaphore(%run_scoped3A : memref<!tpu.dma_semaphore, #tpu.memory_space<semaphore_mem>>) src(%dma_wait3A_61 : memref<8x64xi32, #tpu.memory_space<hbm>>) dst(%arg8 : memref<8x64xi32, #tpu.memory_space<vmem>>)
        tpu.yield
      }) : () -> ()
      %dma_start3A = arith.constant 0 : i32
      %dma_start3A_41 = arith.constant 0 : i32
      %dma_start3A_42 = tpu.memref_slice %arg8[%dma_start3A, %dma_start3A_41] : memref<8x64xi32, #tpu.memory_space<vmem>> -> memref<1x64xi32, #tpu.memory_space<vmem>>
      %dma_start3A_43 = tpu.memref_squeeze %dma_start3A_42 : memref<1x64xi32, #tpu.memory_space<vmem>> -> memref<64xi32, #tpu.memory_space<vmem>>
      %dma_start3A_44 = arith.constant 0 : i32
      %dma_start3A_45 = arith.constant 0 : i32
      %dma_start3A_46 = tpu.memref_slice %arg2[%dma_start3A_44, %dma_start3A_45] : memref<10000x128xf32, #tpu.memory_space<hbm>> -> memref<10000x128xf32, #tpu.memory_space<hbm>>
      tpu.enqueue_indirect_dma source(%dma_start3A_46 : memref<10000x128xf32, #tpu.memory_space<hbm>>) target(%arg9 : memref<64x128xf32, #tpu.memory_space<vmem>>) offsets(%dma_start3A_43 : memref<64xi32, #tpu.memory_space<vmem>>) semaphore(%arg11 : memref<!tpu.dma_semaphore, #tpu.memory_space<semaphore_mem>>)
      %scan3A_47 = arith.constant 0 : i32
      %scan3A_48 = arith.constant 0 : i32
      %scan3A_49 = arith.constant 4 : i32
      %scan3A_50 = arith.addi %scan3A_48, %scan3A_49 : i32
      %scan3A_51 = arith.constant 1 : i32
      %scan3A_52 = scf.for %scan3A_55 = %scan3A_48 to %scan3A_50 step %scan3A_51 iter_args(%scan3A_56 = %scan3A_47) -> (i32)  : i32 {
        %mul3A_57 = arith.constant 2 : i32
        %mul3A_58 = arith.muli %scan3A_55, %mul3A_57 : i32
        %add3A_59 = arith.constant 1 : i32
        %add3A_60 = arith.addi %mul3A_58, %add3A_59 : i32
        %dma_start3A_61 = arith.constant 0 : i32
        %dma_start3A_62 = tpu.memref_slice %arg8[%add3A_60, %dma_start3A_61] : memref<8x64xi32, #tpu.memory_space<vmem>> -> memref<1x64xi32, #tpu.memory_space<vmem>>
        %dma_start3A_63 = tpu.memref_squeeze %dma_start3A_62 : memref<1x64xi32, #tpu.memory_space<vmem>> -> memref<64xi32, #tpu.memory_space<vmem>>
        %dma_start3A_64 = arith.constant 0 : i32
        %dma_start3A_65 = arith.constant 0 : i32
        %dma_start3A_66 = tpu.memref_slice %arg2[%dma_start3A_64, %dma_start3A_65] : memref<10000x128xf32, #tpu.memory_space<hbm>> -> memref<10000x128xf32, #tpu.memory_space<hbm>>
        tpu.enqueue_indirect_dma source(%dma_start3A_66 : memref<10000x128xf32, #tpu.memory_space<hbm>>) target(%arg10 : memref<64x128xf32, #tpu.memory_space<vmem>>) offsets(%dma_start3A_63 : memref<64xi32, #tpu.memory_space<vmem>>) semaphore(%arg12 : memref<!tpu.dma_semaphore, #tpu.memory_space<semaphore_mem>>)
        %dma_wait3A = arith.constant 0 : i32
        %dma_wait3A_67 = tpu.memref_slice %arg8[%mul3A_58, %dma_wait3A] : memref<8x64xi32, #tpu.memory_space<vmem>> -> memref<1x64xi32, #tpu.memory_space<vmem>>
        %dma_wait3A_68 = tpu.memref_squeeze %dma_wait3A_67 : memref<1x64xi32, #tpu.memory_space<vmem>> -> memref<64xi32, #tpu.memory_space<vmem>>
        %dma_wait3A_69 = arith.constant 0 : i32
        %dma_wait3A_70 = arith.constant 0 : i32
        %dma_wait3A_71 = tpu.memref_slice %arg2[%dma_wait3A_69, %dma_wait3A_70] : memref<10000x128xf32, #tpu.memory_space<hbm>> -> memref<10000x128xf32, #tpu.memory_space<hbm>>
        tpu.wait_indirect_dma semaphore(%arg11 : memref<!tpu.dma_semaphore, #tpu.memory_space<semaphore_mem>>) src(%dma_wait3A_71 : memref<10000x128xf32, #tpu.memory_space<hbm>>) dst(%arg9 : memref<64x128xf32, #tpu.memory_space<vmem>>)
        "tpu.region"() ({
          %run_scoped3A = tpu.sem_alloc : memref<!tpu.dma_semaphore, #tpu.memory_space<semaphore_mem>>
          %dma_start3A_88 = arith.constant 0 : i32
          %dma_start3A_89 = tpu.memref_slice %arg7[%mul3A_58, %dma_start3A_88] : memref<8x64xi32, #tpu.memory_space<vmem>> -> memref<1x64xi32, #tpu.memory_space<vmem>>
          %dma_start3A_90 = tpu.memref_squeeze %dma_start3A_89 : memref<1x64xi32, #tpu.memory_space<vmem>> -> memref<64xi32, #tpu.memory_space<vmem>>
          %dma_start3A_91 = arith.constant 0 : i32
          %dma_start3A_92 = arith.constant 0 : i32
          %dma_start3A_93 = tpu.memref_slice %arg6[%dma_start3A_91, %dma_start3A_92] : memref<10240x128xf32, #tpu.memory_space<vmem_shared>> -> memref<10240x128xf32, #tpu.memory_space<vmem_shared>>
          tpu.enqueue_indirect_dma source(%arg9 : memref<64x128xf32, #tpu.memory_space<vmem>>) target(%dma_start3A_93 : memref<10240x128xf32, #tpu.memory_space<vmem_shared>>) offsets(%dma_start3A_90 : memref<64xi32, #tpu.memory_space<vmem>>) semaphore(%run_scoped3A : memref<!tpu.dma_semaphore, #tpu.memory_space<semaphore_mem>>) {add = true}
          %dma_wait3A_94 = arith.constant 0 : i32
          %dma_wait3A_95 = tpu.memref_slice %arg7[%mul3A_58, %dma_wait3A_94] : memref<8x64xi32, #tpu.memory_space<vmem>> -> memref<1x64xi32, #tpu.memory_space<vmem>>
          %dma_wait3A_96 = tpu.memref_squeeze %dma_wait3A_95 : memref<1x64xi32, #tpu.memory_space<vmem>> -> memref<64xi32, #tpu.memory_space<vmem>>
          %dma_wait3A_97 = arith.constant 0 : i32
          %dma_wait3A_98 = arith.constant 0 : i32
          %dma_wait3A_99 = tpu.memref_slice %arg6[%dma_wait3A_97, %dma_wait3A_98] : memref<10240x128xf32, #tpu.memory_space<vmem_shared>> -> memref<10240x128xf32, #tpu.memory_space<vmem_shared>>
          tpu.wait_indirect_dma semaphore(%run_scoped3A : memref<!tpu.dma_semaphore, #tpu.memory_space<semaphore_mem>>) src(%arg9 : memref<64x128xf32, #tpu.memory_space<vmem>>) dst(%dma_wait3A_99 : memref<10240x128xf32, #tpu.memory_space<vmem_shared>>)
          tpu.yield
        }) : () -> ()
        %add3A_72 = arith.constant 1 : i32
        %add3A_73 = arith.addi %scan3A_55, %add3A_72 : i32
        %lt3A_74 = arith.constant 4 : i32
        %lt3A_75 = arith.cmpi slt, %add3A_73, %lt3A_74 : i32
        %convert_element_type3A = arith.extui %lt3A_75 : i1 to i32
        %cond3A = arith.constant 0 : i32
        %cond3A_76 = arith.cmpi ne, %convert_element_type3A, %cond3A : i32
        scf.if %cond3A_76 {
          %add3A_88 = arith.constant 2 : i32
          %add3A_89 = arith.addi %mul3A_58, %add3A_88 : i32
          %dma_start3A_90 = arith.constant 0 : i32
          %dma_start3A_91 = tpu.memref_slice %arg8[%add3A_89, %dma_start3A_90] : memref<8x64xi32, #tpu.memory_space<vmem>> -> memref<1x64xi32, #tpu.memory_space<vmem>>
          %dma_start3A_92 = tpu.memref_squeeze %dma_start3A_91 : memref<1x64xi32, #tpu.memory_space<vmem>> -> memref<64xi32, #tpu.memory_space<vmem>>
          %dma_start3A_93 = arith.constant 0 : i32
          %dma_start3A_94 = arith.constant 0 : i32
          %dma_start3A_95 = tpu.memref_slice %arg2[%dma_start3A_93, %dma_start3A_94] : memref<10000x128xf32, #tpu.memory_space<hbm>> -> memref<10000x128xf32, #tpu.memory_space<hbm>>
          tpu.enqueue_indirect_dma source(%dma_start3A_95 : memref<10000x128xf32, #tpu.memory_space<hbm>>) target(%arg9 : memref<64x128xf32, #tpu.memory_space<vmem>>) offsets(%dma_start3A_92 : memref<64xi32, #tpu.memory_space<vmem>>) semaphore(%arg11 : memref<!tpu.dma_semaphore, #tpu.memory_space<semaphore_mem>>)
        } else {
        }
        %add3A_77 = arith.constant 1 : i32
        %add3A_78 = arith.addi %mul3A_58, %add3A_77 : i32
        %dma_wait3A_79 = arith.constant 0 : i32
        %dma_wait3A_80 = tpu.memref_slice %arg8[%add3A_78, %dma_wait3A_79] : memref<8x64xi32, #tpu.memory_space<vmem>> -> memref<1x64xi32, #tpu.memory_space<vmem>>
        %dma_wait3A_81 = tpu.memref_squeeze %dma_wait3A_80 : memref<1x64xi32, #tpu.memory_space<vmem>> -> memref<64xi32, #tpu.memory_space<vmem>>
        %dma_wait3A_82 = arith.constant 0 : i32
        %dma_wait3A_83 = arith.constant 0 : i32
        %dma_wait3A_84 = tpu.memref_slice %arg2[%dma_wait3A_82, %dma_wait3A_83] : memref<10000x128xf32, #tpu.memory_space<hbm>> -> memref<10000x128xf32, #tpu.memory_space<hbm>>
        tpu.wait_indirect_dma semaphore(%arg12 : memref<!tpu.dma_semaphore, #tpu.memory_space<semaphore_mem>>) src(%dma_wait3A_84 : memref<10000x128xf32, #tpu.memory_space<hbm>>) dst(%arg10 : memref<64x128xf32, #tpu.memory_space<vmem>>)
        %add3A_85 = arith.constant 1 : i32
        %add3A_86 = arith.addi %mul3A_58, %add3A_85 : i32
        "tpu.region"() ({
          %run_scoped3A = tpu.sem_alloc : memref<!tpu.dma_semaphore, #tpu.memory_space<semaphore_mem>>
          %dma_start3A_88 = arith.constant 0 : i32
          %dma_start3A_89 = tpu.memref_slice %arg7[%add3A_86, %dma_start3A_88] : memref<8x64xi32, #tpu.memory_space<vmem>> -> memref<1x64xi32, #tpu.memory_space<vmem>>
          %dma_start3A_90 = tpu.memref_squeeze %dma_start3A_89 : memref<1x64xi32, #tpu.memory_space<vmem>> -> memref<64xi32, #tpu.memory_space<vmem>>
          %dma_start3A_91 = arith.constant 0 : i32
          %dma_start3A_92 = arith.constant 0 : i32
          %dma_start3A_93 = tpu.memref_slice %arg6[%dma_start3A_91, %dma_start3A_92] : memref<10240x128xf32, #tpu.memory_space<vmem_shared>> -> memref<10240x128xf32, #tpu.memory_space<vmem_shared>>
          tpu.enqueue_indirect_dma source(%arg10 : memref<64x128xf32, #tpu.memory_space<vmem>>) target(%dma_start3A_93 : memref<10240x128xf32, #tpu.memory_space<vmem_shared>>) offsets(%dma_start3A_90 : memref<64xi32, #tpu.memory_space<vmem>>) semaphore(%run_scoped3A : memref<!tpu.dma_semaphore, #tpu.memory_space<semaphore_mem>>) {add = true}
          %dma_wait3A_94 = arith.constant 0 : i32
          %dma_wait3A_95 = tpu.memref_slice %arg7[%add3A_86, %dma_wait3A_94] : memref<8x64xi32, #tpu.memory_space<vmem>> -> memref<1x64xi32, #tpu.memory_space<vmem>>
          %dma_wait3A_96 = tpu.memref_squeeze %dma_wait3A_95 : memref<1x64xi32, #tpu.memory_space<vmem>> -> memref<64xi32, #tpu.memory_space<vmem>>
          %dma_wait3A_97 = arith.constant 0 : i32
          %dma_wait3A_98 = arith.constant 0 : i32
          %dma_wait3A_99 = tpu.memref_slice %arg6[%dma_wait3A_97, %dma_wait3A_98] : memref<10240x128xf32, #tpu.memory_space<vmem_shared>> -> memref<10240x128xf32, #tpu.memory_space<vmem_shared>>
          tpu.wait_indirect_dma semaphore(%run_scoped3A : memref<!tpu.dma_semaphore, #tpu.memory_space<semaphore_mem>>) src(%arg10 : memref<64x128xf32, #tpu.memory_space<vmem>>) dst(%dma_wait3A_99 : memref<10240x128xf32, #tpu.memory_space<vmem_shared>>)
          tpu.yield
        }) : () -> ()
        %scan3A_87 = arith.constant 0 : i32
        scf.yield %scan3A_87 : i32
      }
      %scan3A_53 = arith.constant 4 : i32
      %while3A_54 = arith.constant 0 : i32
      scf.yield %while3A_54 : i32
    }
    %while3A_33 = arith.constant 1 : i32
    %while3A_34 = scf.for %while3A_36 = %while3A_30 to %while3A_26 step %while3A_33 iter_args(%while3A_37 = %while3A_32) -> (i32)  : i32 {
      %add3A_38 = arith.addi %sub3A_21, %while3A_36 : i32
      %mul3A_39 = arith.constant 8 : i32
      %mul3A_40 = arith.muli %add3A_38, %mul3A_39 : i32
      "tpu.region"() ({
        %run_scoped3A = tpu.sem_alloc : memref<!tpu.dma_semaphore, #tpu.memory_space<semaphore_mem>>
        %dma_start3A_55 = arith.constant 0 : i32
        %dma_start3A_56 = tpu.memref_slice %arg3[%mul3A_40, %dma_start3A_55] : memref<5000x64xi32, #tpu.memory_space<hbm>> -> memref<8x64xi32, #tpu.memory_space<hbm>>
        %dma_start3A_57 = arith.constant 0 : i32
        %dma_start3A_58 = tpu.memref_slice %arg3[%mul3A_40, %dma_start3A_57] : memref<5000x64xi32, #tpu.memory_space<hbm>> -> memref<8x64xi32, #tpu.memory_space<hbm>>
        tpu.enqueue_dma source(%dma_start3A_58 : memref<8x64xi32, #tpu.memory_space<hbm>>) target(%arg7 : memref<8x64xi32, #tpu.memory_space<vmem>>) target_semaphore(%run_scoped3A : memref<!tpu.dma_semaphore, #tpu.memory_space<semaphore_mem>>)
        %dma_wait3A = arith.constant 0 : i32
        %dma_wait3A_59 = tpu.memref_slice %arg3[%mul3A_40, %dma_wait3A] : memref<5000x64xi32, #tpu.memory_space<hbm>> -> memref<8x64xi32, #tpu.memory_space<hbm>>
        %dma_wait3A_60 = arith.constant 0 : i32
        %dma_wait3A_61 = tpu.memref_slice %arg3[%mul3A_40, %dma_wait3A_60] : memref<5000x64xi32, #tpu.memory_space<hbm>> -> memref<8x64xi32, #tpu.memory_space<hbm>>
        tpu.wait_dma2 semaphore(%run_scoped3A : memref<!tpu.dma_semaphore, #tpu.memory_space<semaphore_mem>>) src(%dma_wait3A_61 : memref<8x64xi32, #tpu.memory_space<hbm>>) dst(%arg7 : memref<8x64xi32, #tpu.memory_space<vmem>>)
        tpu.yield
      }) : () -> ()
      "tpu.region"() ({
        %run_scoped3A = tpu.sem_alloc : memref<!tpu.dma_semaphore, #tpu.memory_space<semaphore_mem>>
        %dma_start3A_55 = arith.constant 0 : i32
        %dma_start3A_56 = tpu.memref_slice %arg4[%mul3A_40, %dma_start3A_55] : memref<5000x64xi32, #tpu.memory_space<hbm>> -> memref<8x64xi32, #tpu.memory_space<hbm>>
        %dma_start3A_57 = arith.constant 0 : i32
        %dma_start3A_58 = tpu.memref_slice %arg4[%mul3A_40, %dma_start3A_57] : memref<5000x64xi32, #tpu.memory_space<hbm>> -> memref<8x64xi32, #tpu.memory_space<hbm>>
        tpu.enqueue_dma source(%dma_start3A_58 : memref<8x64xi32, #tpu.memory_space<hbm>>) target(%arg8 : memref<8x64xi32, #tpu.memory_space<vmem>>) target_semaphore(%run_scoped3A : memref<!tpu.dma_semaphore, #tpu.memory_space<semaphore_mem>>)
        %dma_wait3A = arith.constant 0 : i32
        %dma_wait3A_59 = tpu.memref_slice %arg4[%mul3A_40, %dma_wait3A] : memref<5000x64xi32, #tpu.memory_space<hbm>> -> memref<8x64xi32, #tpu.memory_space<hbm>>
        %dma_wait3A_60 = arith.constant 0 : i32
        %dma_wait3A_61 = tpu.memref_slice %arg4[%mul3A_40, %dma_wait3A_60] : memref<5000x64xi32, #tpu.memory_space<hbm>> -> memref<8x64xi32, #tpu.memory_space<hbm>>
        tpu.wait_dma2 semaphore(%run_scoped3A : memref<!tpu.dma_semaphore, #tpu.memory_space<semaphore_mem>>) src(%dma_wait3A_61 : memref<8x64xi32, #tpu.memory_space<hbm>>) dst(%arg8 : memref<8x64xi32, #tpu.memory_space<vmem>>)
        tpu.yield
      }) : () -> ()
      %dma_start3A = arith.constant 0 : i32
      %dma_start3A_41 = arith.constant 0 : i32
      %dma_start3A_42 = tpu.memref_slice %arg8[%dma_start3A, %dma_start3A_41] : memref<8x64xi32, #tpu.memory_space<vmem>> -> memref<1x64xi32, #tpu.memory_space<vmem>>
      %dma_start3A_43 = tpu.memref_squeeze %dma_start3A_42 : memref<1x64xi32, #tpu.memory_space<vmem>> -> memref<64xi32, #tpu.memory_space<vmem>>
      %dma_start3A_44 = arith.constant 0 : i32
      %dma_start3A_45 = arith.constant 0 : i32
      %dma_start3A_46 = tpu.memref_slice %arg2[%dma_start3A_44, %dma_start3A_45] : memref<10000x128xf32, #tpu.memory_space<hbm>> -> memref<10000x128xf32, #tpu.memory_space<hbm>>
      tpu.enqueue_indirect_dma source(%dma_start3A_46 : memref<10000x128xf32, #tpu.memory_space<hbm>>) target(%arg9 : memref<64x128xf32, #tpu.memory_space<vmem>>) offsets(%dma_start3A_43 : memref<64xi32, #tpu.memory_space<vmem>>) semaphore(%arg11 : memref<!tpu.dma_semaphore, #tpu.memory_space<semaphore_mem>>)
      %scan3A_47 = arith.constant 0 : i32
      %scan3A_48 = arith.constant 0 : i32
      %scan3A_49 = arith.constant 4 : i32
      %scan3A_50 = arith.addi %scan3A_48, %scan3A_49 : i32
      %scan3A_51 = arith.constant 1 : i32
      %scan3A_52 = scf.for %scan3A_55 = %scan3A_48 to %scan3A_50 step %scan3A_51 iter_args(%scan3A_56 = %scan3A_47) -> (i32)  : i32 {
        %mul3A_57 = arith.constant 2 : i32
        %mul3A_58 = arith.muli %scan3A_55, %mul3A_57 : i32
        %add3A_59 = arith.constant 1 : i32
        %add3A_60 = arith.addi %mul3A_58, %add3A_59 : i32
        %dma_start3A_61 = arith.constant 0 : i32
        %dma_start3A_62 = tpu.memref_slice %arg8[%add3A_60, %dma_start3A_61] : memref<8x64xi32, #tpu.memory_space<vmem>> -> memref<1x64xi32, #tpu.memory_space<vmem>>
        %dma_start3A_63 = tpu.memref_squeeze %dma_start3A_62 : memref<1x64xi32, #tpu.memory_space<vmem>> -> memref<64xi32, #tpu.memory_space<vmem>>
        %dma_start3A_64 = arith.constant 0 : i32
        %dma_start3A_65 = arith.constant 0 : i32
        %dma_start3A_66 = tpu.memref_slice %arg2[%dma_start3A_64, %dma_start3A_65] : memref<10000x128xf32, #tpu.memory_space<hbm>> -> memref<10000x128xf32, #tpu.memory_space<hbm>>
        tpu.enqueue_indirect_dma source(%dma_start3A_66 : memref<10000x128xf32, #tpu.memory_space<hbm>>) target(%arg10 : memref<64x128xf32, #tpu.memory_space<vmem>>) offsets(%dma_start3A_63 : memref<64xi32, #tpu.memory_space<vmem>>) semaphore(%arg12 : memref<!tpu.dma_semaphore, #tpu.memory_space<semaphore_mem>>)
        %dma_wait3A = arith.constant 0 : i32
        %dma_wait3A_67 = tpu.memref_slice %arg8[%mul3A_58, %dma_wait3A] : memref<8x64xi32, #tpu.memory_space<vmem>> -> memref<1x64xi32, #tpu.memory_space<vmem>>
        %dma_wait3A_68 = tpu.memref_squeeze %dma_wait3A_67 : memref<1x64xi32, #tpu.memory_space<vmem>> -> memref<64xi32, #tpu.memory_space<vmem>>
        %dma_wait3A_69 = arith.constant 0 : i32
        %dma_wait3A_70 = arith.constant 0 : i32
        %dma_wait3A_71 = tpu.memref_slice %arg2[%dma_wait3A_69, %dma_wait3A_70] : memref<10000x128xf32, #tpu.memory_space<hbm>> -> memref<10000x128xf32, #tpu.memory_space<hbm>>
        tpu.wait_indirect_dma semaphore(%arg11 : memref<!tpu.dma_semaphore, #tpu.memory_space<semaphore_mem>>) src(%dma_wait3A_71 : memref<10000x128xf32, #tpu.memory_space<hbm>>) dst(%arg9 : memref<64x128xf32, #tpu.memory_space<vmem>>)
        "tpu.region"() ({
          %run_scoped3A = tpu.sem_alloc : memref<!tpu.dma_semaphore, #tpu.memory_space<semaphore_mem>>
          %dma_start3A_88 = arith.constant 0 : i32
          %dma_start3A_89 = tpu.memref_slice %arg7[%mul3A_58, %dma_start3A_88] : memref<8x64xi32, #tpu.memory_space<vmem>> -> memref<1x64xi32, #tpu.memory_space<vmem>>
          %dma_start3A_90 = tpu.memref_squeeze %dma_start3A_89 : memref<1x64xi32, #tpu.memory_space<vmem>> -> memref<64xi32, #tpu.memory_space<vmem>>
          %dma_start3A_91 = arith.constant 0 : i32
          %dma_start3A_92 = arith.constant 0 : i32
          %dma_start3A_93 = tpu.memref_slice %arg6[%dma_start3A_91, %dma_start3A_92] : memref<10240x128xf32, #tpu.memory_space<vmem_shared>> -> memref<10240x128xf32, #tpu.memory_space<vmem_shared>>
          tpu.enqueue_indirect_dma source(%arg9 : memref<64x128xf32, #tpu.memory_space<vmem>>) target(%dma_start3A_93 : memref<10240x128xf32, #tpu.memory_space<vmem_shared>>) offsets(%dma_start3A_90 : memref<64xi32, #tpu.memory_space<vmem>>) semaphore(%run_scoped3A : memref<!tpu.dma_semaphore, #tpu.memory_space<semaphore_mem>>) {add = true}
          %dma_wait3A_94 = arith.constant 0 : i32
          %dma_wait3A_95 = tpu.memref_slice %arg7[%mul3A_58, %dma_wait3A_94] : memref<8x64xi32, #tpu.memory_space<vmem>> -> memref<1x64xi32, #tpu.memory_space<vmem>>
          %dma_wait3A_96 = tpu.memref_squeeze %dma_wait3A_95 : memref<1x64xi32, #tpu.memory_space<vmem>> -> memref<64xi32, #tpu.memory_space<vmem>>
          %dma_wait3A_97 = arith.constant 0 : i32
          %dma_wait3A_98 = arith.constant 0 : i32
          %dma_wait3A_99 = tpu.memref_slice %arg6[%dma_wait3A_97, %dma_wait3A_98] : memref<10240x128xf32, #tpu.memory_space<vmem_shared>> -> memref<10240x128xf32, #tpu.memory_space<vmem_shared>>
          tpu.wait_indirect_dma semaphore(%run_scoped3A : memref<!tpu.dma_semaphore, #tpu.memory_space<semaphore_mem>>) src(%arg9 : memref<64x128xf32, #tpu.memory_space<vmem>>) dst(%dma_wait3A_99 : memref<10240x128xf32, #tpu.memory_space<vmem_shared>>)
          tpu.yield
        }) : () -> ()
        %add3A_72 = arith.constant 1 : i32
        %add3A_73 = arith.addi %scan3A_55, %add3A_72 : i32
        %lt3A_74 = arith.constant 4 : i32
        %lt3A_75 = arith.cmpi slt, %add3A_73, %lt3A_74 : i32
        %convert_element_type3A = arith.extui %lt3A_75 : i1 to i32
        %cond3A = arith.constant 0 : i32
        %cond3A_76 = arith.cmpi ne, %convert_element_type3A, %cond3A : i32
        scf.if %cond3A_76 {
          %add3A_88 = arith.constant 2 : i32
          %add3A_89 = arith.addi %mul3A_58, %add3A_88 : i32
          %dma_start3A_90 = arith.constant 0 : i32
          %dma_start3A_91 = tpu.memref_slice %arg8[%add3A_89, %dma_start3A_90] : memref<8x64xi32, #tpu.memory_space<vmem>> -> memref<1x64xi32, #tpu.memory_space<vmem>>
          %dma_start3A_92 = tpu.memref_squeeze %dma_start3A_91 : memref<1x64xi32, #tpu.memory_space<vmem>> -> memref<64xi32, #tpu.memory_space<vmem>>
          %dma_start3A_93 = arith.constant 0 : i32
          %dma_start3A_94 = arith.constant 0 : i32
          %dma_start3A_95 = tpu.memref_slice %arg2[%dma_start3A_93, %dma_start3A_94] : memref<10000x128xf32, #tpu.memory_space<hbm>> -> memref<10000x128xf32, #tpu.memory_space<hbm>>
          tpu.enqueue_indirect_dma source(%dma_start3A_95 : memref<10000x128xf32, #tpu.memory_space<hbm>>) target(%arg9 : memref<64x128xf32, #tpu.memory_space<vmem>>) offsets(%dma_start3A_92 : memref<64xi32, #tpu.memory_space<vmem>>) semaphore(%arg11 : memref<!tpu.dma_semaphore, #tpu.memory_space<semaphore_mem>>)
        } else {
        }
        %add3A_77 = arith.constant 1 : i32
        %add3A_78 = arith.addi %mul3A_58, %add3A_77 : i32
        %dma_wait3A_79 = arith.constant 0 : i32
        %dma_wait3A_80 = tpu.memref_slice %arg8[%add3A_78, %dma_wait3A_79] : memref<8x64xi32, #tpu.memory_space<vmem>> -> memref<1x64xi32, #tpu.memory_space<vmem>>
        %dma_wait3A_81 = tpu.memref_squeeze %dma_wait3A_80 : memref<1x64xi32, #tpu.memory_space<vmem>> -> memref<64xi32, #tpu.memory_space<vmem>>
        %dma_wait3A_82 = arith.constant 0 : i32
        %dma_wait3A_83 = arith.constant 0 : i32
        %dma_wait3A_84 = tpu.memref_slice %arg2[%dma_wait3A_82, %dma_wait3A_83] : memref<10000x128xf32, #tpu.memory_space<hbm>> -> memref<10000x128xf32, #tpu.memory_space<hbm>>
        tpu.wait_indirect_dma semaphore(%arg12 : memref<!tpu.dma_semaphore, #tpu.memory_space<semaphore_mem>>) src(%dma_wait3A_84 : memref<10000x128xf32, #tpu.memory_space<hbm>>) dst(%arg10 : memref<64x128xf32, #tpu.memory_space<vmem>>)
        %add3A_85 = arith.constant 1 : i32
        %add3A_86 = arith.addi %mul3A_58, %add3A_85 : i32
        "tpu.region"() ({
          %run_scoped3A = tpu.sem_alloc : memref<!tpu.dma_semaphore, #tpu.memory_space<semaphore_mem>>
          %dma_start3A_88 = arith.constant 0 : i32
          %dma_start3A_89 = tpu.memref_slice %arg7[%add3A_86, %dma_start3A_88] : memref<8x64xi32, #tpu.memory_space<vmem>> -> memref<1x64xi32, #tpu.memory_space<vmem>>
          %dma_start3A_90 = tpu.memref_squeeze %dma_start3A_89 : memref<1x64xi32, #tpu.memory_space<vmem>> -> memref<64xi32, #tpu.memory_space<vmem>>
          %dma_start3A_91 = arith.constant 0 : i32
          %dma_start3A_92 = arith.constant 0 : i32
          %dma_start3A_93 = tpu.memref_slice %arg6[%dma_start3A_91, %dma_start3A_92] : memref<10240x128xf32, #tpu.memory_space<vmem_shared>> -> memref<10240x128xf32, #tpu.memory_space<vmem_shared>>
          tpu.enqueue_indirect_dma source(%arg10 : memref<64x128xf32, #tpu.memory_space<vmem>>) target(%dma_start3A_93 : memref<10240x128xf32, #tpu.memory_space<vmem_shared>>) offsets(%dma_start3A_90 : memref<64xi32, #tpu.memory_space<vmem>>) semaphore(%run_scoped3A : memref<!tpu.dma_semaphore, #tpu.memory_space<semaphore_mem>>) {add = true}
          %dma_wait3A_94 = arith.constant 0 : i32
          %dma_wait3A_95 = tpu.memref_slice %arg7[%add3A_86, %dma_wait3A_94] : memref<8x64xi32, #tpu.memory_space<vmem>> -> memref<1x64xi32, #tpu.memory_space<vmem>>
          %dma_wait3A_96 = tpu.memref_squeeze %dma_wait3A_95 : memref<1x64xi32, #tpu.memory_space<vmem>> -> memref<64xi32, #tpu.memory_space<vmem>>
          %dma_wait3A_97 = arith.constant 0 : i32
          %dma_wait3A_98 = arith.constant 0 : i32
          %dma_wait3A_99 = tpu.memref_slice %arg6[%dma_wait3A_97, %dma_wait3A_98] : memref<10240x128xf32, #tpu.memory_space<vmem_shared>> -> memref<10240x128xf32, #tpu.memory_space<vmem_shared>>
          tpu.wait_indirect_dma semaphore(%run_scoped3A : memref<!tpu.dma_semaphore, #tpu.memory_space<semaphore_mem>>) src(%arg10 : memref<64x128xf32, #tpu.memory_space<vmem>>) dst(%dma_wait3A_99 : memref<10240x128xf32, #tpu.memory_space<vmem_shared>>)
          tpu.yield
        }) : () -> ()
        %scan3A_87 = arith.constant 0 : i32
        scf.yield %scan3A_87 : i32
      }
      %scan3A_53 = arith.constant 4 : i32
      %while3A_54 = arith.constant 0 : i32
      scf.yield %while3A_54 : i32
    }
    %barrier3A_35 = arith.constant 0 : index
    tpu.barrier barrier_id(%barrier3A_35)
    "tpu.region"() ({
      %run_scoped3A = tpu.sem_alloc : memref<!tpu.dma_semaphore, #tpu.memory_space<semaphore_mem>>
      %dma_start3A = arith.constant 0 : i32
      %dma_start3A_36 = tpu.memref_slice %arg5[%arg0, %mul3A_7, %dma_start3A] : memref<2x10240x128xf32, #tpu.memory_space<hbm>> -> memref<1x640x128xf32, #tpu.memory_space<hbm>>
      %dma_start3A_37 = tpu.memref_squeeze %dma_start3A_36 : memref<1x640x128xf32, #tpu.memory_space<hbm>> -> memref<640x128xf32, #tpu.memory_space<hbm>>
      %dma_start3A_38 = arith.constant 0 : i32
      %dma_start3A_39 = tpu.memref_slice %arg6[%mul3A_7, %dma_start3A_38] : memref<10240x128xf32, #tpu.memory_space<vmem_shared>> -> memref<640x128xf32, #tpu.memory_space<vmem_shared>>
      tpu.enqueue_dma source(%dma_start3A_39 : memref<640x128xf32, #tpu.memory_space<vmem_shared>>) target(%dma_start3A_37 : memref<640x128xf32, #tpu.memory_space<hbm>>) target_semaphore(%run_scoped3A : memref<!tpu.dma_semaphore, #tpu.memory_space<semaphore_mem>>)
      %dma_wait3A = arith.constant 0 : i32
      %dma_wait3A_40 = tpu.memref_slice %arg5[%arg0, %mul3A_7, %dma_wait3A] : memref<2x10240x128xf32, #tpu.memory_space<hbm>> -> memref<1x640x128xf32, #tpu.memory_space<hbm>>
      %dma_wait3A_41 = tpu.memref_squeeze %dma_wait3A_40 : memref<1x640x128xf32, #tpu.memory_space<hbm>> -> memref<640x128xf32, #tpu.memory_space<hbm>>
      %dma_wait3A_42 = arith.constant 0 : i32
      %dma_wait3A_43 = tpu.memref_slice %arg6[%mul3A_7, %dma_wait3A_42] : memref<10240x128xf32, #tpu.memory_space<vmem_shared>> -> memref<640x128xf32, #tpu.memory_space<vmem_shared>>
      tpu.wait_dma2 semaphore(%run_scoped3A : memref<!tpu.dma_semaphore, #tpu.memory_space<semaphore_mem>>) src(%dma_wait3A_43 : memref<640x128xf32, #tpu.memory_space<vmem_shared>>) dst(%dma_wait3A_41 : memref<640x128xf32, #tpu.memory_space<hbm>>)
      tpu.yield
    }) : () -> ()
    return
  }
}

module attributes {stable_mosaic.version = 14 : i64} {
  func.func @_tc1_body(%arg0: i32, %arg1: memref<2000x128xf32, #tpu.memory_space<vmem>>, %arg2: memref<1x2000x1xf32, #tpu.memory_space<vmem>>, %arg3: memref<1x2000x1xf32, #tpu.memory_space<vmem>>, %arg4: memref<128x128xf32, #tpu.memory_space<vmem>>, %arg5: memref<2000x128xf32, #tpu.memory_space<vmem>>, %arg6: memref<2000x1xf32, #tpu.memory_space<vmem>>) attributes {dimension_semantics = [#tpu.dimension_semantics<arbitrary>], iteration_bounds = array<i64: 5>, scalar_prefetch = 0 : i64, scratch_operands = 0 : i64, tpu.core_type = #tpu.core_type<tc>, window_params = [{transform_indices = @transform_0, window_bounds = array<i64: 2000, 128>}, {transform_indices = @transform_1, window_bounds = array<i64: 1, 2000, 1>}, {transform_indices = @transform_2, window_bounds = array<i64: 1, 2000, 1>}, {pipeline_mode = #tpu.pipeline_mode<synchronous>, transform_indices = @transform_3, window_bounds = array<i64: 128, 128>}, {transform_indices = @transform_4, window_bounds = array<i64: 2000, 128>}, {transform_indices = @transform_5, window_bounds = array<i64: 2000, 1>}]} {
    %get3A = arith.constant 0 : index
    %get3A_0 = arith.constant 0 : index
    %get3A_1 = arith.constant 0 : index
    %get3A_2 = vector.load %arg2[%get3A, %get3A_0, %get3A_1] : memref<1x2000x1xf32, #tpu.memory_space<vmem>>, vector<1x2000x1xf32>
    %get3A_3 = vector.shape_cast %get3A_2 : vector<1x2000x1xf32> to vector<2000x1xf32>
    %get3A_4 = arith.constant 0 : index
    %get3A_5 = arith.constant 0 : index
    %get3A_6 = arith.constant 0 : index
    %get3A_7 = vector.load %arg3[%get3A_4, %get3A_5, %get3A_6] : memref<1x2000x1xf32, #tpu.memory_space<vmem>>, vector<1x2000x1xf32>
    %get3A_8 = vector.shape_cast %get3A_7 : vector<1x2000x1xf32> to vector<2000x1xf32>
    %add3A = arith.addf %get3A_3, %get3A_8 : vector<2000x1xf32>
    %add3A_9 = arith.constant 5.000000e+00 : f32
    %add3A_10 = vector.broadcast %add3A_9 : f32 to vector<2000x1xf32>
    %add3A_11 = arith.addf %add3A, %add3A_10 : vector<2000x1xf32>
    %rsqrt3A = math.rsqrt %add3A_11 : vector<2000x1xf32>
    %get3A_12 = arith.constant 0 : index
    %get3A_13 = arith.constant 0 : index
    %get3A_14 = vector.load %arg1[%get3A_12, %get3A_13] : memref<2000x128xf32, #tpu.memory_space<vmem>>, vector<2000x128xf32>
    %get3A_15 = arith.constant 0 : index
    %get3A_16 = arith.constant 0 : index
    %get3A_17 = vector.load %arg4[%get3A_15, %get3A_16] : memref<128x128xf32, #tpu.memory_space<vmem>>, vector<128x128xf32>
    %dot_general3A = arith.constant dense<0.000000e+00> : vector<2000x128xf32>
    %dot_general3A_18 = tpu.matmul %get3A_14, %get3A_17, %dot_general3A {dimension_numbers = #tpu.dot_dimension_numbers<[1], [0], [0], [1], [0, 0, 1, 1], [], []>, transpose_lhs_hint = false} : vector<2000x128xf32>, vector<128x128xf32>, vector<2000x128xf32> -> vector<2000x128xf32>
    %mul3A = vector.broadcast %rsqrt3A : vector<2000x1xf32> to vector<2000x128xf32>
    %mul3A_19 = arith.mulf %dot_general3A_18, %mul3A : vector<2000x128xf32>
    %swap3A = arith.constant 0 : index
    %swap3A_20 = arith.constant 0 : index
    %swap3A_21 = vector.load %arg5[%swap3A, %swap3A_20] : memref<2000x128xf32, #tpu.memory_space<vmem>>, vector<2000x128xf32>
    tpu.vector_store %arg5[%swap3A, %swap3A_20], %mul3A_19 {strides = array<i32>} : memref<2000x128xf32, #tpu.memory_space<vmem>>, vector<2000x128xf32>,
    %swap3A_22 = arith.constant 0 : index
    %swap3A_23 = arith.constant 0 : index
    %swap3A_24 = vector.load %arg6[%swap3A_22, %swap3A_23] : memref<2000x1xf32, #tpu.memory_space<vmem>>, vector<2000x1xf32>
    tpu.vector_store %arg6[%swap3A_22, %swap3A_23], %rsqrt3A {strides = array<i32>} : memref<2000x1xf32, #tpu.memory_space<vmem>>, vector<2000x1xf32>,
    return
  }
  func.func @transform_0(%arg0: i32) -> (i32, i32) {
    %c0_i32 = arith.constant 0 : i32
    %c0_i32_0 = arith.constant 0 : i32
    return %arg0, %c0_i32 : i32, i32
  }
  func.func @transform_1(%arg0: i32) -> (i32, i32, i32) {
    %c0_i32 = arith.constant 0 : i32
    %c0_i32_0 = arith.constant 0 : i32
    %c0_i32_1 = arith.constant 0 : i32
    return %c0_i32, %arg0, %c0_i32_0 : i32, i32, i32
  }
  func.func @transform_2(%arg0: i32) -> (i32, i32, i32) {
    %c1_i32 = arith.constant 1 : i32
    %c0_i32 = arith.constant 0 : i32
    %c0_i32_0 = arith.constant 0 : i32
    return %c1_i32, %arg0, %c0_i32 : i32, i32, i32
  }
  func.func @transform_3(%arg0: i32) -> (i32, i32) {
    %c0_i32 = arith.constant 0 : i32
    %c0_i32_0 = arith.constant 0 : i32
    %c0_i32_1 = arith.constant 0 : i32
    return %c0_i32, %c0_i32_0 : i32, i32
  }
  func.func @transform_4(%arg0: i32) -> (i32, i32) {
    %c0_i32 = arith.constant 0 : i32
    %c0_i32_0 = arith.constant 0 : i32
    return %arg0, %c0_i32 : i32, i32
  }
  func.func @transform_5(%arg0: i32) -> (i32, i32) {
    %c0_i32 = arith.constant 0 : i32
    %c0_i32_0 = arith.constant 0 : i32
    return %arg0, %c0_i32 : i32, i32
  }
}

module attributes {stable_mosaic.version = 14 : i64} {
  func.func @_tc2_body(%arg0: i32, %arg1: memref<1x2000x128xf32, #tpu.memory_space<vmem>>, %arg2: memref<1x2000x128xf32, #tpu.memory_space<vmem>>, %arg3: memref<2000x128xf32, #tpu.memory_space<vmem>>, %arg4: memref<2000x1xf32, #tpu.memory_space<vmem>>, %arg5: memref<128x128xf32, #tpu.memory_space<vmem>>, %arg6: memref<2000x128xf32, #tpu.memory_space<vmem>>) attributes {dimension_semantics = [#tpu.dimension_semantics<arbitrary>], iteration_bounds = array<i64: 5>, scalar_prefetch = 0 : i64, scratch_operands = 0 : i64, tpu.core_type = #tpu.core_type<tc>, window_params = [{transform_indices = @transform_0, window_bounds = array<i64: 1, 2000, 128>}, {transform_indices = @transform_1, window_bounds = array<i64: 1, 2000, 128>}, {transform_indices = @transform_2, window_bounds = array<i64: 2000, 128>}, {transform_indices = @transform_3, window_bounds = array<i64: 2000, 1>}, {pipeline_mode = #tpu.pipeline_mode<synchronous>, transform_indices = @transform_4, window_bounds = array<i64: 128, 128>}, {transform_indices = @transform_5, window_bounds = array<i64: 2000, 128>}]} {
    %get3A = arith.constant 0 : index
    %get3A_0 = arith.constant 0 : index
    %get3A_1 = vector.load %arg4[%get3A, %get3A_0] : memref<2000x1xf32, #tpu.memory_space<vmem>>, vector<2000x1xf32>
    %get3A_2 = arith.constant 0 : index
    %get3A_3 = arith.constant 0 : index
    %get3A_4 = arith.constant 0 : index
    %get3A_5 = vector.load %arg1[%get3A_2, %get3A_3, %get3A_4] : memref<1x2000x128xf32, #tpu.memory_space<vmem>>, vector<1x2000x128xf32>
    %get3A_6 = vector.shape_cast %get3A_5 : vector<1x2000x128xf32> to vector<2000x128xf32>
    %get3A_7 = arith.constant 0 : index
    %get3A_8 = arith.constant 0 : index
    %get3A_9 = arith.constant 0 : index
    %get3A_10 = vector.load %arg2[%get3A_7, %get3A_8, %get3A_9] : memref<1x2000x128xf32, #tpu.memory_space<vmem>>, vector<1x2000x128xf32>
    %get3A_11 = vector.shape_cast %get3A_10 : vector<1x2000x128xf32> to vector<2000x128xf32>
    %add3A = arith.addf %get3A_6, %get3A_11 : vector<2000x128xf32>
    %get3A_12 = arith.constant 0 : index
    %get3A_13 = arith.constant 0 : index
    %get3A_14 = vector.load %arg3[%get3A_12, %get3A_13] : memref<2000x128xf32, #tpu.memory_space<vmem>>, vector<2000x128xf32>
    %mul3A = arith.constant 5.000000e+00 : f32
    %mul3A_15 = vector.broadcast %mul3A : f32 to vector<2000x128xf32>
    %mul3A_16 = arith.mulf %mul3A_15, %get3A_14 : vector<2000x128xf32>
    %add3A_17 = arith.addf %add3A, %mul3A_16 : vector<2000x128xf32>
    %mul3A_18 = vector.broadcast %get3A_1 : vector<2000x1xf32> to vector<2000x128xf32>
    %mul3A_19 = arith.mulf %mul3A_18, %add3A_17 : vector<2000x128xf32>
    %max3A = arith.constant 0.000000e+00 : f32
    %max3A_20 = vector.broadcast %max3A : f32 to vector<2000x128xf32>
    %max3A_21 = arith.maximumf %mul3A_19, %max3A_20 : vector<2000x128xf32>
    %get3A_22 = arith.constant 0 : index
    %get3A_23 = arith.constant 0 : index
    %get3A_24 = vector.load %arg5[%get3A_22, %get3A_23] : memref<128x128xf32, #tpu.memory_space<vmem>>, vector<128x128xf32>
    %dot_general3A = arith.constant dense<0.000000e+00> : vector<2000x128xf32>
    %dot_general3A_25 = tpu.matmul %max3A_21, %get3A_24, %dot_general3A {dimension_numbers = #tpu.dot_dimension_numbers<[1], [0], [0], [1], [0, 0, 1, 1], [], []>, transpose_lhs_hint = false} : vector<2000x128xf32>, vector<128x128xf32>, vector<2000x128xf32> -> vector<2000x128xf32>
    %get3A_26 = arith.constant 0 : index
    %get3A_27 = arith.constant 0 : index
    %get3A_28 = vector.load %arg4[%get3A_26, %get3A_27] : memref<2000x1xf32, #tpu.memory_space<vmem>>, vector<2000x1xf32>
    %mul3A_29 = vector.broadcast %get3A_28 : vector<2000x1xf32> to vector<2000x128xf32>
    %mul3A_30 = arith.mulf %dot_general3A_25, %mul3A_29 : vector<2000x128xf32>
    %swap3A = arith.constant 0 : index
    %swap3A_31 = arith.constant 0 : index
    %swap3A_32 = vector.load %arg6[%swap3A, %swap3A_31] : memref<2000x128xf32, #tpu.memory_space<vmem>>, vector<2000x128xf32>
    tpu.vector_store %arg6[%swap3A, %swap3A_31], %mul3A_30 {strides = array<i32>} : memref<2000x128xf32, #tpu.memory_space<vmem>>, vector<2000x128xf32>,
    return
  }
  func.func @transform_0(%arg0: i32) -> (i32, i32, i32) {
    %c0_i32 = arith.constant 0 : i32
    %c0_i32_0 = arith.constant 0 : i32
    %c0_i32_1 = arith.constant 0 : i32
    return %c0_i32, %arg0, %c0_i32_0 : i32, i32, i32
  }
  func.func @transform_1(%arg0: i32) -> (i32, i32, i32) {
    %c1_i32 = arith.constant 1 : i32
    %c0_i32 = arith.constant 0 : i32
    %c0_i32_0 = arith.constant 0 : i32
    return %c1_i32, %arg0, %c0_i32 : i32, i32, i32
  }
  func.func @transform_2(%arg0: i32) -> (i32, i32) {
    %c0_i32 = arith.constant 0 : i32
    %c0_i32_0 = arith.constant 0 : i32
    return %arg0, %c0_i32 : i32, i32
  }
  func.func @transform_3(%arg0: i32) -> (i32, i32) {
    %c0_i32 = arith.constant 0 : i32
    %c0_i32_0 = arith.constant 0 : i32
    return %arg0, %c0_i32 : i32, i32
  }
  func.func @transform_4(%arg0: i32) -> (i32, i32) {
    %c0_i32 = arith.constant 0 : i32
    %c0_i32_0 = arith.constant 0 : i32
    %c0_i32_1 = arith.constant 0 : i32
    return %c0_i32, %c0_i32_0 : i32, i32
  }
  func.func @transform_5(%arg0: i32) -> (i32, i32) {
    %c0_i32 = arith.constant 0 : i32
    %c0_i32_0 = arith.constant 0 : i32
    return %arg0, %c0_i32 : i32, i32
  }
}

module attributes {stable_mosaic.version = 14 : i64} {
  func.func @_tc3_body(%arg0: i32, %arg1: memref<1x2000x128xf32, #tpu.memory_space<vmem>>, %arg2: memref<1x2000x128xf32, #tpu.memory_space<vmem>>, %arg3: memref<2000x128xf32, #tpu.memory_space<vmem>>, %arg4: memref<2000x1xf32, #tpu.memory_space<vmem>>, %arg5: memref<128x16xf32, #tpu.memory_space<vmem>>, %arg6: memref<1x16xf32, #tpu.memory_space<vmem>>, %arg7: memref<2000x16xf32, #tpu.memory_space<vmem>>) attributes {dimension_semantics = [#tpu.dimension_semantics<arbitrary>], iteration_bounds = array<i64: 5>, scalar_prefetch = 0 : i64, scratch_operands = 0 : i64, tpu.core_type = #tpu.core_type<tc>, window_params = [{transform_indices = @transform_0, window_bounds = array<i64: 1, 2000, 128>}, {transform_indices = @transform_1, window_bounds = array<i64: 1, 2000, 128>}, {transform_indices = @transform_2, window_bounds = array<i64: 2000, 128>}, {transform_indices = @transform_3, window_bounds = array<i64: 2000, 1>}, {pipeline_mode = #tpu.pipeline_mode<synchronous>, transform_indices = @transform_4, window_bounds = array<i64: 128, 16>}, {pipeline_mode = #tpu.pipeline_mode<synchronous>, transform_indices = @transform_5, window_bounds = array<i64: 1, 16>}, {transform_indices = @transform_6, window_bounds = array<i64: 2000, 16>}]} {
    %get3A = arith.constant 0 : index
    %get3A_0 = arith.constant 0 : index
    %get3A_1 = vector.load %arg4[%get3A, %get3A_0] : memref<2000x1xf32, #tpu.memory_space<vmem>>, vector<2000x1xf32>
    %get3A_2 = arith.constant 0 : index
    %get3A_3 = arith.constant 0 : index
    %get3A_4 = arith.constant 0 : index
    %get3A_5 = vector.load %arg1[%get3A_2, %get3A_3, %get3A_4] : memref<1x2000x128xf32, #tpu.memory_space<vmem>>, vector<1x2000x128xf32>
    %get3A_6 = vector.shape_cast %get3A_5 : vector<1x2000x128xf32> to vector<2000x128xf32>
    %get3A_7 = arith.constant 0 : index
    %get3A_8 = arith.constant 0 : index
    %get3A_9 = arith.constant 0 : index
    %get3A_10 = vector.load %arg2[%get3A_7, %get3A_8, %get3A_9] : memref<1x2000x128xf32, #tpu.memory_space<vmem>>, vector<1x2000x128xf32>
    %get3A_11 = vector.shape_cast %get3A_10 : vector<1x2000x128xf32> to vector<2000x128xf32>
    %add3A = arith.addf %get3A_6, %get3A_11 : vector<2000x128xf32>
    %get3A_12 = arith.constant 0 : index
    %get3A_13 = arith.constant 0 : index
    %get3A_14 = vector.load %arg3[%get3A_12, %get3A_13] : memref<2000x128xf32, #tpu.memory_space<vmem>>, vector<2000x128xf32>
    %mul3A = arith.constant 5.000000e+00 : f32
    %mul3A_15 = vector.broadcast %mul3A : f32 to vector<2000x128xf32>
    %mul3A_16 = arith.mulf %mul3A_15, %get3A_14 : vector<2000x128xf32>
    %add3A_17 = arith.addf %add3A, %mul3A_16 : vector<2000x128xf32>
    %mul3A_18 = vector.broadcast %get3A_1 : vector<2000x1xf32> to vector<2000x128xf32>
    %mul3A_19 = arith.mulf %mul3A_18, %add3A_17 : vector<2000x128xf32>
    %get3A_20 = arith.constant 0 : index
    %get3A_21 = arith.constant 0 : index
    %get3A_22 = vector.load %arg5[%get3A_20, %get3A_21] : memref<128x16xf32, #tpu.memory_space<vmem>>, vector<128x16xf32>
    %dot_general3A = arith.constant dense<0.000000e+00> : vector<2000x16xf32>
    %dot_general3A_23 = tpu.matmul %mul3A_19, %get3A_22, %dot_general3A {dimension_numbers = #tpu.dot_dimension_numbers<[1], [0], [0], [1], [0, 0, 1, 1], [], []>, transpose_lhs_hint = false} : vector<2000x128xf32>, vector<128x16xf32>, vector<2000x16xf32> -> vector<2000x16xf32>
    %get3A_24 = arith.constant 0 : index
    %get3A_25 = arith.constant 0 : index
    %get3A_26 = vector.load %arg6[%get3A_24, %get3A_25] : memref<1x16xf32, #tpu.memory_space<vmem>>, vector<1x16xf32>
    %add3A_27 = vector.broadcast %get3A_26 : vector<1x16xf32> to vector<2000x16xf32>
    %add3A_28 = arith.addf %dot_general3A_23, %add3A_27 : vector<2000x16xf32>
    %swap3A = arith.constant 0 : index
    %swap3A_29 = arith.constant 0 : index
    %swap3A_30 = vector.load %arg7[%swap3A, %swap3A_29] : memref<2000x16xf32, #tpu.memory_space<vmem>>, vector<2000x16xf32>
    tpu.vector_store %arg7[%swap3A, %swap3A_29], %add3A_28 {strides = array<i32>} : memref<2000x16xf32, #tpu.memory_space<vmem>>, vector<2000x16xf32>,
    return
  }
  func.func @transform_0(%arg0: i32) -> (i32, i32, i32) {
    %c0_i32 = arith.constant 0 : i32
    %c0_i32_0 = arith.constant 0 : i32
    %c0_i32_1 = arith.constant 0 : i32
    return %c0_i32, %arg0, %c0_i32_0 : i32, i32, i32
  }
  func.func @transform_1(%arg0: i32) -> (i32, i32, i32) {
    %c1_i32 = arith.constant 1 : i32
    %c0_i32 = arith.constant 0 : i32
    %c0_i32_0 = arith.constant 0 : i32
    return %c1_i32, %arg0, %c0_i32 : i32, i32, i32
  }
  func.func @transform_2(%arg0: i32) -> (i32, i32) {
    %c0_i32 = arith.constant 0 : i32
    %c0_i32_0 = arith.constant 0 : i32
    return %arg0, %c0_i32 : i32, i32
  }
  func.func @transform_3(%arg0: i32) -> (i32, i32) {
    %c0_i32 = arith.constant 0 : i32
    %c0_i32_0 = arith.constant 0 : i32
    return %arg0, %c0_i32 : i32, i32
  }
  func.func @transform_4(%arg0: i32) -> (i32, i32) {
    %c0_i32 = arith.constant 0 : i32
    %c0_i32_0 = arith.constant 0 : i32
    %c0_i32_1 = arith.constant 0 : i32
    return %c0_i32, %c0_i32_0 : i32, i32
  }
  func.func @transform_5(%arg0: i32) -> (i32, i32) {
    %c0_i32 = arith.constant 0 : i32
    %c0_i32_0 = arith.constant 0 : i32
    %c0_i32_1 = arith.constant 0 : i32
    return %c0_i32, %c0_i32_0 : i32, i32
  }
  func.func @transform_6(%arg0: i32) -> (i32, i32) {
    %c0_i32 = arith.constant 0 : i32
    %c0_i32_0 = arith.constant 0 : i32
    return %arg0, %c0_i32 : i32, i32
  }
}

</mosaic_0001>

<sc_bundles>
// kernel: kernel.11.cloned.1.call-start
scs
__scs_entry_jumppad:
0x0: {  	(pc) =	sbr.rel $0x88, $3  }
0x1: {  	(tag) =	ssettag $0x0;
	lr =	simm.s32 $0x1  }
0x2: {  	[smem:$0x3F9B] =	sst lr;
	_ =	strace $0xD0000000  }
0x3: {  	_ = 	snop  }
0x4: {  	_ = 	snop  }
0x5: {  	_ = 	snop  }
0x6: {  	_ = 	snop  }
0x7: {  	_ = 	snop  }
__scs_overlays_trampoline_lowered:
0x8: {  	[smem:$0x3FAA] =	sst s0  }
0x9: {  	[smem:$0x3FAB] =	sst s1  }
0xa: {  	[smem:$0x3FAC] =	sst s2  }
0xb: {  	[smem:$0x3FAD] =	sst s3  }
0xc: {  	[smem:$0x3FAE] =	sst s4  }
0xd: {  	[smem:$0x3FAF] =	sst s5  }
0xe: {  	[smem:$0x3FB0] =	sst s6  }
0xf: {  	[smem:$0x3FB1] =	sst s7  }
0x10: {  	[smem:$0x3FB2] =	sst s8  }
0x11: {  	[smem:$0x3FB3] =	sst s9;
	s0 =	simm.s32 @!p0 $0x0  }
0x12: {  	s1 =	sld [smem:$0x3F99];
	s0 =	simm.s32 @p0 $0x1  }
0x13: {  	[smem:$0x3FB4] =	sst s0;
	s0 =	simm.s32 @!p1 $0x0  }
0x14: {  	s2 =	sld [smem:$0x3F98];
	s0 =	simm.s32 @p1 $0x1  }
0x15: {  	[smem:$0x3FB5] =	sst s0;
	s0 =	simm.s32 @!p2 $0x0  }
0x16: {  	s3 =	sld [smem:$0x3FDB];
	s0 =	simm.s32 @p2 $0x1  }
0x17: {  	s4 =	simm.s32 $0x1BF5;
	[smem:$0x3FB7] =	sst s0  }
0x18: {  	s0 =	sld [smem:$0x3F9A];
	_ =	swait.ge [sflag:s4], $0x0  }
0x19: {  	s7 =	sld [smem:$0x3F9B]  }
0x1a: {  	s8 =	sadd.s32 $0xFFFFE003, lr  }
0x1b: {  	s9 =	sadd.s32 $0xFFFFFEF7, lr;
	s5 =	simm.s32 $0xFFFFFFFF;
	p2 =	slt.u32 s8, $0xFFFFF086  }
0x1c: {  	p1 =	slt.u32 s9, $0xF7A;
	s5 =	simm.s32 @!p2 $0x0  }
0x1d: {  	s5 =	simm.s32 @p1 $0x1;
	p0 =	seq.s32 s7, s2  }
0x1e: {  	s7 =	smul.u32 @!p0 $0xF7A, s2;
	p2 =	seq.s32 @!p0 s5, $0x0  }
0x1f: {  	s9 =	smul.u32 $0xF7A, s1;
	s8 =	simm.s32 @!p0 $0x1BF5;
	p2 =	por !p2, p0  }
0x20: {  	[sflag:s8] =	ssyncset.s32 @!p0 $0xFFFFF086;
	s6 =	sadd.s32 @!p0 s3, s7;
	s7 =	simm.s32 @!p0 $0x108  }
0x21: {  	s3 =	sadd.s32 s3, s9;
	s6 =	sadd.s32 @!p0 $0x88, s6;
	s7 =	simm.s32 @p2 $0x1082  }
0x22: {  	[simem:s7], [sflag:s8] =	dma.local @!p0 [hbm:s6], $0xF7A  }
0x23: {  	s9 =	sor.u32 $0xD0000000, s2;
	s6 =	simm.s32 $0x108;
	_ =	swait.ge @!p0 [sflag:s8], $0x0  }
0x24: {  	s3 =	sadd.s32 $0x88, s3;
	s6 =	simm.s32 @!p1 $0x1082;
	[sflag:s4] =	ssyncset.s32 $0xFFFFF086  }
0x25: {  	[simem:s6], [sflag:s4] =	dma.local [hbm:s3], $0xF7A  }
0x26: {  	[smem:$0x3F9B] =	sst s1;
	(tag) =	ssettag s2;
	_ =	strace s9  }
0x27: {  	s1 =	sld [smem:$0x3FAB]  }
0x28: {  	s2 =	sld [smem:$0x3FAC]  }
0x29: {  	s4 =	sld [smem:$0x3FAE]  }
0x2a: {  	p0 =	seq.s32 s5, $0x0;
	s5 =	sld [smem:$0x3FAF]  }
0x2b: {  	s6 =	sld [smem:$0x3FB0]  }
0x2c: {  	s7 =	sld [smem:$0x3FB1]  }
0x2d: {  	s3 =	simm.s32 $0x108;
	s8 =	sld [smem:$0x3FB2]  }
0x2e: {  	s3 =	simm.s32 @!p0 $0x1082;
	s9 =	sld [smem:$0x3FB3]  }
0x2f: {  	lr =	sadd.s32 s0, s3;
	s0 =	sld [smem:$0x3FAA]  }
0x30: {  	s3 =	sld [smem:$0x3FAD]  }
0x31: {  	[smem:$0x3FB6] =	sst s10  }
0x32: {  	s10 =	sld [smem:$0x3FB4];
	_ =	sdelay $0x3  }
0x33: {  	p0 =	seq.s32 s10, $0x1;
	s10 =	sld [smem:$0x3FB6];
	_ =	sdelay $0x3  }
0x34: {  	[smem:$0x3FB6] =	sst s10  }
0x35: {  	s10 =	sld [smem:$0x3FB5];
	_ =	sdelay $0x3  }
0x36: {  	p1 =	seq.s32 s10, $0x1;
	s10 =	sld [smem:$0x3FB6];
	_ =	sdelay $0x3  }
0x37: {  	[smem:$0x3FB6] =	sst s10  }
0x38: {  	s10 =	sld [smem:$0x3FB7]  }
0x39: {  	_ = 	snop;
	(pc) =	sbr.ind lr, $3  }
0x3a: {  	_ = 	snop  }
0x3b: {  	_ = 	snop  }
0x3c: {  	p2 =	seq.s32 s10, $0x1;
	s10 =	sld [smem:$0x3FB6]  }
0x3d: {  	_ =	shalt  }
0x3e: {  	_ =	shalt  }
0x3f: {  	_ =	shalt  }
0x40: {  	_ =	shalt  }
0x41: {  	_ =	shalt  }
0x42: {  	_ =	shalt  }
0x43: {  	_ =	shalt  }
0x44: {  	_ =	shalt  }
0x45: {  	_ =	shalt  }
0x46: {  	_ =	shalt  }
0x47: {  	_ =	shalt  }
0x48: {  	_ =	shalt  }
0x49: {  	_ =	shalt  }
0x4a: {  	_ =	shalt  }
0x4b: {  	_ =	shalt  }
0x4c: {  	_ =	shalt  }
0x4d: {  	_ =	shalt  }
0x4e: {  	_ =	shalt  }
0x4f: {  	_ =	shalt  }
0x50: {  	_ =	shalt  }
0x51: {  	_ =	shalt  }
0x52: {  	_ =	shalt  }
0x53: {  	_ =	shalt  }
0x54: {  	_ =	shalt  }
0x55: {  	_ =	shalt  }
0x56: {  	_ =	shalt  }
0x57: {  	_ =	shalt  }
0x58: {  	_ =	shalt  }
0x59: {  	_ =	shalt  }
0x5a: {  	_ =	shalt  }
0x5b: {  	_ =	shalt  }
0x5c: {  	_ =	shalt  }
0x5d: {  	_ =	shalt  }
0x5e: {  	_ =	shalt  }
0x5f: {  	_ =	shalt  }
0x60: {  	_ =	shalt  }
0x61: {  	_ =	shalt  }
0x62: {  	_ =	shalt  }
0x63: {  	_ =	shalt  }
0x64: {  	_ =	shalt  }
0x65: {  	_ =	shalt  }
0x66: {  	_ =	shalt  }
0x67: {  	_ =	shalt  }
0x68: {  	_ =	shalt  }
0x69: {  	_ =	shalt  }
0x6a: {  	_ =	shalt  }
0x6b: {  	_ =	shalt  }
0x6c: {  	_ =	shalt  }
0x6d: {  	_ =	shalt  }
0x6e: {  	_ =	shalt  }
0x6f: {  	_ =	shalt  }
0x70: {  	_ =	shalt  }
0x71: {  	_ =	shalt  }
0x72: {  	_ =	shalt  }
0x73: {  	_ =	shalt  }
0x74: {  	_ =	shalt  }
0x75: {  	_ =	shalt  }
0x76: {  	_ =	shalt  }
0x77: {  	_ =	shalt  }
0x78: {  	_ =	shalt  }
0x79: {  	_ =	shalt  }
0x7a: {  	_ =	shalt  }
0x7b: {  	_ =	shalt  }
0x7c: {  	_ =	shalt  }
0x7d: {  	_ =	shalt  }
0x7e: {  	_ =	shalt  }
0x7f: {  	_ =	shalt  }
0x80: {  	_ =	shalt  }
0x81: {  	_ =	shalt  }
0x82: {  	_ =	shalt  }
0x83: {  	_ =	shalt  }
0x84: {  	_ =	shalt  }
0x85: {  	_ =	shalt  }
0x86: {  	_ =	shalt  }
0x87: {  	_ =	shalt  }
.Lfunc_end0:
.L_simem_size_0:
called_computation.1_lowered:
.L_overlay_start_0:
0x88: {  	s2 =	sld [smem:$0x3FD9]  }
0x89: {  	s3 =	sld [smem:$0x3FFE];
	_ =	sdelay $0x1  }
0x8a: {  	s1 =	srdreg.scid  }
0x8b: {  	s0 =	sand.u32 $0x1, s1  }
0x8c: {  	s16 =	sshll.u32 s0, $0xA;
	s2 =	sadd.s32 s3, s2  }
0x8d: {  	s2 =	sadd.s32 s2, s16  }
0x8e: {  	[smem:$0x3FC2] =	sst s2  }
0x8f: {  	_ = 	snop  }
0x90: {  	(tm) =	ssettm $0x1  }
0x91: {  	s17 =	sld [smem:$0x3FFB];
	_ =	sdelay $0x3  }
0x92: {  	_ =	strace s17  }
0x93: {  	s2 =	sld [smem:$0x3FFC];
	_ =	sdelay $0x3  }
0x94: {  	_ =	strace s2  }
0x95: {  	s2 =	sld [smem:$0x3FFD];
	_ =	sdelay $0x3  }
0x96: {  	_ =	strace s2  }
0x97: {  	_ =	strace $0x8FFFFFFF  }
0x98: {  	s18 =	sld [smem:$0x3FDB];
	_ =	sdelay $0x1  }
0x99: {  	s19 =	simm.s32 $_scs_section_size  }
0x9a: {  	s4 =	simm.s32 $_size__tile_overlayer_lowered;
	s5 =	simm.s32 $_tile_overlayer_lowered  }
0x9b: {  	s22 =	simm.s32 $0x1BFF;
	s21 =	sshll.u32 s5, $0x1;
	s2 =	sadd.s32 s19, s18  }
0x9c: {  	s6 =	simm.s32 $0x0;
	s20 =	sshll.u32 s4, $0x1;
	s4 =	sadd.s32 s21, s2  }
0x9d: {  	[timem:s6], [sflag:s22] =	dma.local [hbm:s4], s20  }
0x9e: {  	_ =	swait.ge [sflag:s22], s20  }
0x9f: {  	s3 =	ssub.s32 $0x0, s20;
	[sflag:s22] =	ssyncset.done $0x0  }
0xa0: {  	[sflag:s22] =	ssyncadd.s32 s3;
	_ =	sdelay $0x1  }
0xa1: {  	s23 =	simm.s32 $0x1B8B  }
0xa2: {  	_ =	swait.ge [sflag:s23], $0x1  }
0xa3: {  	[sflag:s23] =	ssyncset.done $0x0  }
0xa4: {  	s25 =	simm.s32 $0x1B8E;
	s24 =	sld [smem:$0x3FFE];
	[sflag:s23] =	ssyncadd.s32 $0xFFFFFFFF  }
0xa5: {  	s26 =	simm.s32 $execute0_lowered;
	[smem:$0x3FD2] =	sst s25  }
0xa6: {  	s4 =	sshll.u32 s26, $0x1;
	_ =	strace $0x80000049;
	[dreg:$0x1] =	wrdreg $0xFFFFFFFF  }
0xa7: {  	s28 =	simm.s32 $_size_execute0_lowered;
	s2 =	sadd.s32 s2, s4;
	[dreg:$0x0] =	wrdreg $0x0  }
0xa8: {  	s4 =	sshll.u32 s28, $0x1;
	[dreg:$0x2] =	wrdreg s2  }
0xa9: {  	[dreg:$0x3] =	wrdreg s4  }
0xaa: {  	[dreg:$0x4] =	wrdreg $0xC0  }
0xab: {  	_ =	task [dreg:s6], $0x5FFFF  }
0xac: {  	[dreg:$0x1] =	wrdreg $0xFFFFFFFF  }
0xad: {  	[dreg:$0x0] =	wrdreg $0x60  }
0xae: {  	[dreg:$0x2] =	wrdreg s24  }
0xaf: {  	[dreg:$0x3] =	wrdreg $0x0  }
0xb0: {  	[dreg:$0x4] =	wrdreg $0x9  }
0xb1: {  	_ =	task.clear_ibuf [dreg:s6], $0x5FFFF;
	_ =	strace $0x90000049  }
0xb2: {  	s29 =	simm.s32 $0x9;
	_ =	strace $0x8000004B  }
0xb3: {  	_ =	swait.ge [sflag:s29], $0x1  }
0xb4: {  	[sflag:s29] =	ssyncadd.s32 $0xFFFFFFFF  }
0xb5: {  	_ =	strace $0x9000004B  }
0xb6: {  	_ =	sfence  }
0xb7: {  	s30 =	sld [smem:$0x0];
	_ =	sdelay $0x2  }
0xb8: {  	s31 =	sshll.u32 s1, $0xD;
	s1 =	sshrl.u32 s1, $0x2  }
0xb9: {  	s3 =	sand.u32 $0x4000, s31;
	s1 =	sadd.s32 s1, s30  }
0xba: {  	s0 =	sor.u32 s3, s0;
	s1 =	sshll.u32 s1, $0x11  }
0xbb: {  	s0 =	sor.u32 s1, s0  }
0xbc: {  	s0 =	sadd.s32 $0x8F2B, s0  }
0xbd: {  	[sflag:s0] =	ssyncadd.remote.s32 $0x1  }
0xbe: {  	_ =	sfence.sel $0xFFFF  }
0xbf: {  	[dreg:$0x0] =	wrdreg $0xFFFFFFFF;
	(pc) =	sbr.abs _section_cstart, $3  }
0xc0: {  	[dreg:$0x1] =	wrdreg $0xFFFFFFFF  }
0xc1: {  	_ =	task.clear_ibuf [dreg:s6], $0x2FFFF;
	_ =	strace $0x9FFFFFFF  }
0xc2: {  	(tm) =	ssettm $0x7FFFFFFF  }
0xc3: {  	_ =	shalt  }
tec
execute0_lowered:
.L_overlay_start_1:
0x0: {  	(tag) =	ssettag $0x1  }
0x1: {  	s0 =	rddreg [dreg:$0x0]  }
0x2: {  	s1 =	rddreg [dreg:$0x1]  }
0x3: {  	s2 =	srdreg.scid;
	s3 =	simm.s32 $0x0;
	s10 =	stileid.u32  }
0x4: {  	s26 =	simm.s32 $0x14480;
	s28 =	simm.s32 $0x2;
	s29 =	simm.s32 $0x14080  }
0x5: {  	s30 =	simm.s32 $0x14580;
	s31 =	simm.s32 $0x14100;
	s2 =	sand.u32 $0x1, s2  }
0x6: {  	[smem:$0x7FF] =	sst s3;
	s6 =	smul.u32 $0x14000, s10;
	s7 =	sadd.s32 $0x2400, s0  }
0x7: {  	s4 =	sadd.s32 $0x29800, s0;
	s8 =	sadd.s32 $0x15E00, s0;
	s9 =	smul.u32 $0x50000, s10  }
0x8: {  	s14 =	smul.u32 $0x14, s10;
	_ =	strace $0x8000004A;
	[dreg:$0x3] =	wrdreg s7  }
0x9: {  	s5 =	smul.u32 $0x140000, s2;
	[dreg:$0x4] =	wrdreg s8;
	s11 =	ssub.s32 $0x2, s2  }
0xa: {  	s8 =	sshll.u32 s2, $0x4;
	s2 =	smul.u32 $0x140, s2;
	[dreg:$0x5] =	wrdreg s26  }
0xb: {  	s12 =	sshrl.u32 s11, $0x1;
	s7 =	sshrl.u32 s9, $0x2;
	s13 =	sor.u32 s10, s8  }
0xc: {  	s5 =	sadd.s32 s6, s5;
	p0 =	slt.u32 s13, $0x11;
	s6 =	simm.s32 $0x14  }
0xd: {  	s9 =	ssub.s32 s11, s12;
	s5 =	sshrl.u32 s5, $0x3;
	s6 =	simm.s32 @!p0 $0x13  }
0xe: {  	s15 =	smax.u32 s9, $0x1;
	s0 =	sadd.s32 s5, s0;
	[dreg:$0x6] =	wrdreg s6  }
0xf: {  	s5 =	sadd.s32 s7, s1;
	[dreg:$0x8] =	wrdreg s15;
	s0 =	sadd.s32 $0x50A00, s0  }
0x10: {  	s26 =	simm.s32 $0x14500;
	s16 =	sadd.s32 $0x2000, s5;
	[dreg:$0x7] =	wrdreg s0  }
0x11: {  	s8 =	simm.s32 $0x14200;
	s17 =	sadd.s32 $0x4000, s5;
	[dreg:$0x9] =	wrdreg s16  }
0x12: {  	s10 =	simm.s32 $0x14280;
	s18 =	sadd.s32 $0x6000, s5;
	[dreg:$0xa] =	wrdreg s17  }
0x13: {  	s19 =	smax.u32 s13, $0x11;
	s20 =	sadd.s32 $0x8000, s5;
	[dreg:$0xb] =	wrdreg s18  }
0x14: {  	s11 =	simm.s32 $0x14780;
	s21 =	sadd.s32 $0xA000, s5;
	[dreg:$0xc] =	wrdreg s20  }
0x15: {  	s12 =	simm.s32 $0x14300;
	s22 =	sadd.s32 $0xC000, s5;
	[dreg:$0xd] =	wrdreg s21  }
0x16: {  	s13 =	simm.s32 $0x14380;
	s23 =	sadd.s32 $0xE000, s5;
	[dreg:$0xe] =	wrdreg s22  }
0x17: {  	s9 =	simm.s32 $0x14700;
	s24 =	sadd.s32 $0x10000, s5;
	[dreg:$0xf] =	wrdreg s23  }
0x18: {  	s7 =	simm.s32 $0x14680;
	s25 =	sadd.s32 $0x12000, s5;
	[dreg:$0x10] =	wrdreg s24  }
0x19: {  	s0 =	sadd.s32 s14, s2;
	[dreg:$0x11] =	wrdreg s25;
	s20 =	simm.s32 $0x3  }
0x1a: {  	s21 =	simm.s32 $0x14000;
	s22 =	simm.s32 $0x14400;
	s23 =	simm.s32 $0x40  }
0x1b: {  	s24 =	simm.s32 $0x16800;
	s25 =	simm.s32 $0x1;
	s0 =	ssub.s32 s0, s19  }
0x1c: {  	s2 =	simm.s32 $0x14180;
	s14 =	simm.s32 $0x0;
	s0 =	sshll.u32 s0, $0x7  }
0x1d: {  	v0 =	vimm.f32 $0.0e+00;
	s19 =	simm.s32 $0x14800;
	s16 =	sadd.s32 $0x880, s0;
	s0 =	simm.s32 $0x14600  }
.LBB2_1:
0x1e: {  	s15 =	simm.s32 $0x0;
	s18 =	simm.s32 $0x200  }
.LBB2_2:
0x1f: {  	p0 =	sne.s32 s18, $0x7E00;
	[tilespmem:s15+$0x14870] =	vst v0  }
0x20: {  	[tilespmem:s15+$0x14800] =	vst v0  }
0x21: {  	[tilespmem:s15+$0x14810] =	vst v0  }
.Ltmp0:
0x22: {  	[tilespmem:s15+$0x14820] =	vst v0;
	(pc) =	sbr.rel @p0 .LBB2_2-.Ltmp0, $4  }
0x23: {  	[tilespmem:s15+$0x14830] =	vst v0  }
0x24: {  	[tilespmem:s15+$0x14840] =	vst v0  }
0x25: {  	[tilespmem:s15+$0x14850] =	vst v0  }
0x26: {  	[tilespmem:s15+$0x14860] =	vst v0;
	s15 =	sshra.s32 s18, $0x2;
	s18 =	sadd.s32 $0x200, s18  }
0x27: {  	[tilespmem:s15+$0x14870] =	vst v0  }
0x28: {  	[tilespmem:s15+$0x14800] =	vst v0  }
0x29: {  	[tilespmem:s15+$0x14810] =	vst v0  }
0x2a: {  	[tilespmem:s15+$0x14820] =	vst v0  }
0x2b: {  	[tilespmem:s15+$0x14830] =	vst v0  }
0x2c: {  	[tilespmem:s15+$0x14840] =	vst v0  }
0x2d: {  	[tilespmem:s15+$0x14850] =	vst v0  }
0x2e: {  	[tilespmem:s15+$0x14860] =	vst v0  }
0x2f: {  	[spmem:s5] =	stream.linear.scatter [tilespmem:s19], [sflag:$0x3], $0x2000, $0x38;
	[tilespmem:$0x18800] =	vst v63  }
0x30: {  	_ =	swait.ge [sflag:s20], $0x2000  }
0x31: {  	[sflag:s20] =	ssyncset.done $0x0  }
0x32: {  	s6 =	rddreg [dreg:$0x9];
	[sflag:s20] =	ssyncadd.s32 $0xFFFFE000  }
0x33: {  	[spmem:s6] =	stream.linear.scatter [tilespmem:s19], [sflag:$0x3], $0x2000, $0x38;
	[tilespmem:$0x18800] =	vst v63  }
0x34: {  	_ =	swait.ge [sflag:s20], $0x2000  }
0x35: {  	[sflag:s20] =	ssyncset.done $0x0  }
0x36: {  	s18 =	rddreg [dreg:$0xa];
	[sflag:s20] =	ssyncadd.s32 $0xFFFFE000  }
0x37: {  	[spmem:s18] =	stream.linear.scatter [tilespmem:s19], [sflag:$0x3], $0x2000, $0x38;
	[tilespmem:$0x18800] =	vst v63  }
0x38: {  	_ =	swait.ge [sflag:s20], $0x2000  }
0x39: {  	[sflag:s20] =	ssyncset.done $0x0  }
0x3a: {  	s15 =	rddreg [dreg:$0xb];
	[sflag:s20] =	ssyncadd.s32 $0xFFFFE000  }
0x3b: {  	[spmem:s15] =	stream.linear.scatter [tilespmem:s19], [sflag:$0x3], $0x2000, $0x38;
	[tilespmem:$0x18800] =	vst v63  }
0x3c: {  	_ =	swait.ge [sflag:s20], $0x2000  }
0x3d: {  	[sflag:s20] =	ssyncset.done $0x0  }
0x3e: {  	s17 =	rddreg [dreg:$0xc];
	[sflag:s20] =	ssyncadd.s32 $0xFFFFE000  }
0x3f: {  	[spmem:s17] =	stream.linear.scatter [tilespmem:s19], [sflag:$0x3], $0x2000, $0x38;
	[tilespmem:$0x18800] =	vst v63  }
0x40: {  	_ =	swait.ge [sflag:s20], $0x2000  }
0x41: {  	[sflag:s20] =	ssyncset.done $0x0  }
0x42: {  	s18 =	rddreg [dreg:$0xd];
	[sflag:s20] =	ssyncadd.s32 $0xFFFFE000  }
0x43: {  	[spmem:s18] =	stream.linear.scatter [tilespmem:s19], [sflag:$0x3], $0x2000, $0x38;
	[tilespmem:$0x18800] =	vst v63  }
0x44: {  	_ =	swait.ge [sflag:s20], $0x2000  }
0x45: {  	[sflag:s20] =	ssyncset.done $0x0  }
0x46: {  	s15 =	rddreg [dreg:$0xe];
	[sflag:s20] =	ssyncadd.s32 $0xFFFFE000  }
0x47: {  	[spmem:s15] =	stream.linear.scatter [tilespmem:s19], [sflag:$0x3], $0x2000, $0x38;
	[tilespmem:$0x18800] =	vst v63  }
0x48: {  	_ =	swait.ge [sflag:s20], $0x2000  }
0x49: {  	[sflag:s20] =	ssyncset.done $0x0  }
0x4a: {  	s17 =	rddreg [dreg:$0xf];
	[sflag:s20] =	ssyncadd.s32 $0xFFFFE000  }
0x4b: {  	[spmem:s17] =	stream.linear.scatter [tilespmem:s19], [sflag:$0x3], $0x2000, $0x38;
	[tilespmem:$0x18800] =	vst v63  }
0x4c: {  	_ =	swait.ge [sflag:s20], $0x2000  }
0x4d: {  	[sflag:s20] =	ssyncset.done $0x0  }
0x4e: {  	s18 =	rddreg [dreg:$0x10];
	[sflag:s20] =	ssyncadd.s32 $0xFFFFE000  }
0x4f: {  	[spmem:s18] =	stream.linear.scatter [tilespmem:s19], [sflag:$0x3], $0x2000, $0x38;
	[tilespmem:$0x18800] =	vst v63  }
0x50: {  	_ =	swait.ge [sflag:s20], $0x2000  }
0x51: {  	[sflag:s20] =	ssyncset.done $0x0  }
0x52: {  	s15 =	rddreg [dreg:$0x11];
	[sflag:s20] =	ssyncadd.s32 $0xFFFFE000  }
0x53: {  	[spmem:s15] =	stream.linear.scatter [tilespmem:s19], [sflag:$0x3], $0x2000, $0x38;
	[tilespmem:$0x18800] =	vst v63  }
0x54: {  	_ =	swait.ge [sflag:s20], $0x2000  }
0x55: {  	[sflag:s20] =	ssyncset.done $0x0  }
0x56: {  	[sflag:s20] =	ssyncadd.s32 $0xFFFFE000  }
0x57: {  	[bflag:$0x0] =	sbarrier.arrive $0xFFFF  }
0x58: {  	s18 =	sand.u32 $0x1FFFFF80, s16;
	s17 =	rddreg [dreg:$0x3]  }
0x59: {  	s15 =	sadd.s32 s17, s18  }
0x5a: {  	[tilespmem:s21], [sflag:$0x3] =	stream.linear.gather [hbm4b:s15+s3], $0x400, $0x38;
	[tilespmem:$0x18800] =	vst v63  }
0x5b: {  	_ =	swait.ge [sflag:s20], $0x400  }
0x5c: {  	s6 =	rddreg [dreg:$0x4];
	[sflag:s20] =	ssyncset.done $0x0  }
0x5d: {  	[sflag:s20] =	ssyncadd.s32 $0xFFFFFC00;
	s15 =	sadd.s32 s6, s18  }
0x5e: {  	[tilespmem:s22], [sflag:$0x3] =	stream.linear.gather [hbm4b:s15+s3], $0x400, $0x38;
	[tilespmem:$0x18800] =	vst v63  }
0x5f: {  	_ =	swait.ge [sflag:s20], $0x400  }
0x60: {  	[sflag:s20] =	ssyncset.done $0x0  }
0x61: {  	[sflag:s20] =	ssyncadd.s32 $0xFFFFFC00  }
0x62: {  	[tilespmem:s19], [sflag:$0x1] =	stream.indirect.gather [hbm4b:s4+s23], $0x80, s22, s23, $0xb8;
	[tilespmem:$0x18800] =	vst v63  }
0x63: {  	s17 =	rddreg [dreg:$0x5]  }
0x64: {  	[tilespmem:s24], [sflag:$0x2] =	stream.indirect.gather [hbm4b:s4+s23], $0x80, s17, s23, $0xb8;
	[tilespmem:$0x18800] =	vst v63  }
0x65: {  	_ =	swait.ge [sflag:s25], $0x2000  }
0x66: {  	[sflag:s25] =	ssyncset.done $0x0  }
0x67: {  	[sflag:s25] =	ssyncadd.s32 $0xFFFFE000  }
0x68: {  	[spmem:s1] =	stream.indirect.scatter.add.f32 [tilespmem:s19], [sflag:$0x3], $0x80, s21, s23, $0xb8;
	[tilespmem:$0x18800] =	vst v63  }
0x69: {  	_ =	swait.ge [sflag:s20], $0x2000  }
0x6a: {  	[sflag:s20] =	ssyncset.done $0x0  }
0x6b: {  	[sflag:s20] =	ssyncadd.s32 $0xFFFFE000  }
0x6c: {  	[tilespmem:s19], [sflag:$0x1] =	stream.indirect.gather [hbm4b:s4+s23], $0x80, s26, s23, $0xb8;
	[tilespmem:$0x18800] =	vst v63  }
0x6d: {  	_ =	swait.ge [sflag:s28], $0x2000  }
0x6e: {  	[sflag:s28] =	ssyncset.done $0x0  }
0x6f: {  	[sflag:s28] =	ssyncadd.s32 $0xFFFFE000  }
0x70: {  	[spmem:s1] =	stream.indirect.scatter.add.f32 [tilespmem:s24], [sflag:$0x3], $0x80, s29, s23, $0xb8;
	[tilespmem:$0x18800] =	vst v63  }
0x71: {  	_ =	swait.ge [sflag:s20], $0x2000  }
0x72: {  	[sflag:s20] =	ssyncset.done $0x0  }
0x73: {  	[sflag:s20] =	ssyncadd.s32 $0xFFFFE000  }
0x74: {  	[tilespmem:s24], [sflag:$0x2] =	stream.indirect.gather [hbm4b:s4+s23], $0x80, s30, s23, $0xb8;
	[tilespmem:$0x18800] =	vst v63  }
0x75: {  	_ =	swait.ge [sflag:s25], $0x2000  }
0x76: {  	[sflag:s25] =	ssyncset.done $0x0  }
0x77: {  	[sflag:s25] =	ssyncadd.s32 $0xFFFFE000  }
0x78: {  	[spmem:s1] =	stream.indirect.scatter.add.f32 [tilespmem:s19], [sflag:$0x3], $0x80, s31, s23, $0xb8;
	[tilespmem:$0x18800] =	vst v63  }
0x79: {  	_ =	swait.ge [sflag:s20], $0x2000  }
0x7a: {  	[sflag:s20] =	ssyncset.done $0x0  }
0x7b: {  	[sflag:s20] =	ssyncadd.s32 $0xFFFFE000  }
0x7c: {  	[tilespmem:s19], [sflag:$0x1] =	stream.indirect.gather [hbm4b:s4+s23], $0x80, s0, s23, $0xb8;
	[tilespmem:$0x18800] =	vst v63  }
0x7d: {  	_ =	swait.ge [sflag:s28], $0x2000  }
0x7e: {  	[sflag:s28] =	ssyncset.done $0x0  }
0x7f: {  	[sflag:s28] =	ssyncadd.s32 $0xFFFFE000  }
0x80: {  	[spmem:s1] =	stream.indirect.scatter.add.f32 [tilespmem:s24], [sflag:$0x3], $0x80, s2, s23, $0xb8;
	[tilespmem:$0x18800] =	vst v63  }
0x81: {  	_ =	swait.ge [sflag:s20], $0x2000  }
0x82: {  	[sflag:s20] =	ssyncset.done $0x0  }
0x83: {  	[sflag:s20] =	ssyncadd.s32 $0xFFFFE000  }
0x84: {  	[tilespmem:s24], [sflag:$0x2] =	stream.indirect.gather [hbm4b:s4+s23], $0x80, s7, s23, $0xb8;
	[tilespmem:$0x18800] =	vst v63  }
0x85: {  	_ =	swait.ge [sflag:s25], $0x2000  }
0x86: {  	[sflag:s25] =	ssyncset.done $0x0  }
0x87: {  	[sflag:s25] =	ssyncadd.s32 $0xFFFFE000  }
0x88: {  	[spmem:s1] =	stream.indirect.scatter.add.f32 [tilespmem:s19], [sflag:$0x3], $0x80, s8, s23, $0xb8;
	[tilespmem:$0x18800] =	vst v63  }
0x89: {  	_ =	swait.ge [sflag:s20], $0x2000  }
0x8a: {  	[sflag:s20] =	ssyncset.done $0x0  }
0x8b: {  	[sflag:s20] =	ssyncadd.s32 $0xFFFFE000  }
0x8c: {  	[tilespmem:s19], [sflag:$0x1] =	stream.indirect.gather [hbm4b:s4+s23], $0x80, s9, s23, $0xb8;
	[tilespmem:$0x18800] =	vst v63  }
0x8d: {  	_ =	swait.ge [sflag:s28], $0x2000  }
0x8e: {  	[sflag:s28] =	ssyncset.done $0x0  }
0x8f: {  	[sflag:s28] =	ssyncadd.s32 $0xFFFFE000  }
0x90: {  	[spmem:s1] =	stream.indirect.scatter.add.f32 [tilespmem:s24], [sflag:$0x3], $0x80, s10, s23, $0xb8;
	[tilespmem:$0x18800] =	vst v63  }
0x91: {  	_ =	swait.ge [sflag:s20], $0x2000  }
0x92: {  	[sflag:s20] =	ssyncset.done $0x0  }
0x93: {  	[sflag:s20] =	ssyncadd.s32 $0xFFFFE000  }
0x94: {  	[tilespmem:s24], [sflag:$0x2] =	stream.indirect.gather [hbm4b:s4+s23], $0x80, s11, s23, $0xb8;
	[tilespmem:$0x18800] =	vst v63  }
0x95: {  	_ =	swait.ge [sflag:s25], $0x2000  }
0x96: {  	[sflag:s25] =	ssyncset.done $0x0  }
0x97: {  	[sflag:s25] =	ssyncadd.s32 $0xFFFFE000  }
0x98: {  	[spmem:s1] =	stream.indirect.scatter.add.f32 [tilespmem:s19], [sflag:$0x3], $0x80, s12, s23, $0xb8;
	[tilespmem:$0x18800] =	vst v63  }
0x99: {  	_ =	swait.ge [sflag:s20], $0x2000  }
0x9a: {  	[sflag:s20] =	ssyncset.done $0x0  }
0x9b: {  	[sflag:s20] =	ssyncadd.s32 $0xFFFFE000  }
0x9c: {  	_ =	swait.ge [sflag:s28], $0x2000  }
0x9d: {  	s18 =	rddreg [dreg:$0x6]  }
0x9e: {  	p0 =	sne.s32 s18, $0x1  }
.Ltmp1:
0x9f: {  	_ = 	snop;
	(pc) =	sbr.rel @!p0 .LBB2_5-.Ltmp1, $4  }
0xa0: {  	[sflag:s28] =	ssyncset.done $0x0  }
0xa1: {  	[sflag:s28] =	ssyncadd.s32 $0xFFFFE000  }
0xa2: {  	[spmem:s1] =	stream.indirect.scatter.add.f32 [tilespmem:s24], [sflag:$0x3], $0x80, s13, s23, $0xb8;
	[tilespmem:$0x18800] =	vst v63  }
0xa3: {  	s15 =	sadd.s32 $0xFFFFFFFF, s18;
	s18 =	smov.u32 s16;
	_ =	swait.ge [sflag:s20], $0x2000  }
.LBB2_4:
0xa4: {  	s18 =	sadd.s32 $0x80, s18  }
0xa5: {  	s17 =	rddreg [dreg:$0x3];
	[sflag:s20] =	ssyncset.done $0x0;
	s6 =	sand.u32 $0x1FFFFF80, s18  }
0xa6: {  	[sflag:s20] =	ssyncadd.s32 $0xFFFFE000;
	s17 =	sadd.s32 s17, s6  }
0xa7: {  	[tilespmem:s21], [sflag:$0x3] =	stream.linear.gather [hbm4b:s17+s3], $0x400, $0x38;
	[tilespmem:$0x18800] =	vst v63  }
0xa8: {  	_ =	swait.ge [sflag:s20], $0x400  }
0xa9: {  	s17 =	rddreg [dreg:$0x4];
	[sflag:s20] =	ssyncset.done $0x0  }
0xaa: {  	[sflag:s20] =	ssyncadd.s32 $0xFFFFFC00;
	s6 =	sadd.s32 s17, s6  }
0xab: {  	[tilespmem:s22], [sflag:$0x3] =	stream.linear.gather [hbm4b:s6+s3], $0x400, $0x38;
	[tilespmem:$0x18800] =	vst v63  }
0xac: {  	_ =	swait.ge [sflag:s20], $0x400  }
0xad: {  	[sflag:s20] =	ssyncset.done $0x0  }
0xae: {  	[sflag:s20] =	ssyncadd.s32 $0xFFFFFC00  }
0xaf: {  	[tilespmem:s19], [sflag:$0x1] =	stream.indirect.gather [hbm4b:s4+s23], $0x80, s22, s23, $0xb8;
	[tilespmem:$0x18800] =	vst v63  }
0xb0: {  	s17 =	rddreg [dreg:$0x5]  }
0xb1: {  	[tilespmem:s24], [sflag:$0x2] =	stream.indirect.gather [hbm4b:s4+s23], $0x80, s17, s23, $0xb8;
	[tilespmem:$0x18800] =	vst v63  }
0xb2: {  	_ =	swait.ge [sflag:s25], $0x2000  }
0xb3: {  	[sflag:s25] =	ssyncset.done $0x0  }
0xb4: {  	[sflag:s25] =	ssyncadd.s32 $0xFFFFE000  }
0xb5: {  	[spmem:s1] =	stream.indirect.scatter.add.f32 [tilespmem:s19], [sflag:$0x3], $0x80, s21, s23, $0xb8;
	[tilespmem:$0x18800] =	vst v63  }
0xb6: {  	_ =	swait.ge [sflag:s20], $0x2000  }
0xb7: {  	[sflag:s20] =	ssyncset.done $0x0  }
0xb8: {  	[sflag:s20] =	ssyncadd.s32 $0xFFFFE000  }
0xb9: {  	[tilespmem:s19], [sflag:$0x1] =	stream.indirect.gather [hbm4b:s4+s23], $0x80, s26, s23, $0xb8;
	[tilespmem:$0x18800] =	vst v63  }
0xba: {  	_ =	swait.ge [sflag:s28], $0x2000  }
0xbb: {  	[sflag:s28] =	ssyncset.done $0x0  }
0xbc: {  	[sflag:s28] =	ssyncadd.s32 $0xFFFFE000  }
0xbd: {  	[spmem:s1] =	stream.indirect.scatter.add.f32 [tilespmem:s24], [sflag:$0x3], $0x80, s29, s23, $0xb8;
	[tilespmem:$0x18800] =	vst v63  }
0xbe: {  	_ =	swait.ge [sflag:s20], $0x2000  }
0xbf: {  	[sflag:s20] =	ssyncset.done $0x0  }
0xc0: {  	[sflag:s20] =	ssyncadd.s32 $0xFFFFE000  }
0xc1: {  	[tilespmem:s24], [sflag:$0x2] =	stream.indirect.gather [hbm4b:s4+s23], $0x80, s30, s23, $0xb8;
	[tilespmem:$0x18800] =	vst v63  }
0xc2: {  	_ =	swait.ge [sflag:s25], $0x2000  }
0xc3: {  	[sflag:s25] =	ssyncset.done $0x0  }
0xc4: {  	[sflag:s25] =	ssyncadd.s32 $0xFFFFE000  }
0xc5: {  	[spmem:s1] =	stream.indirect.scatter.add.f32 [tilespmem:s19], [sflag:$0x3], $0x80, s31, s23, $0xb8;
	[tilespmem:$0x18800] =	vst v63  }
0xc6: {  	_ =	swait.ge [sflag:s20], $0x2000  }
0xc7: {  	[sflag:s20] =	ssyncset.done $0x0  }
0xc8: {  	[sflag:s20] =	ssyncadd.s32 $0xFFFFE000  }
0xc9: {  	[tilespmem:s19], [sflag:$0x1] =	stream.indirect.gather [hbm4b:s4+s23], $0x80, s0, s23, $0xb8;
	[tilespmem:$0x18800] =	vst v63  }
0xca: {  	_ =	swait.ge [sflag:s28], $0x2000  }
0xcb: {  	[sflag:s28] =	ssyncset.done $0x0  }
0xcc: {  	[sflag:s28] =	ssyncadd.s32 $0xFFFFE000  }
0xcd: {  	[spmem:s1] =	stream.indirect.scatter.add.f32 [tilespmem:s24], [sflag:$0x3], $0x80, s2, s23, $0xb8;
	[tilespmem:$0x18800] =	vst v63  }
0xce: {  	_ =	swait.ge [sflag:s20], $0x2000  }
0xcf: {  	[sflag:s20] =	ssyncset.done $0x0  }
0xd0: {  	[sflag:s20] =	ssyncadd.s32 $0xFFFFE000  }
0xd1: {  	[tilespmem:s24], [sflag:$0x2] =	stream.indirect.gather [hbm4b:s4+s23], $0x80, s7, s23, $0xb8;
	[tilespmem:$0x18800] =	vst v63  }
0xd2: {  	_ =	swait.ge [sflag:s25], $0x2000  }
0xd3: {  	[sflag:s25] =	ssyncset.done $0x0  }
0xd4: {  	[sflag:s25] =	ssyncadd.s32 $0xFFFFE000  }
0xd5: {  	[spmem:s1] =	stream.indirect.scatter.add.f32 [tilespmem:s19], [sflag:$0x3], $0x80, s8, s23, $0xb8;
	[tilespmem:$0x18800] =	vst v63  }
0xd6: {  	_ =	swait.ge [sflag:s20], $0x2000  }
0xd7: {  	[sflag:s20] =	ssyncset.done $0x0  }
0xd8: {  	[sflag:s20] =	ssyncadd.s32 $0xFFFFE000  }
0xd9: {  	[tilespmem:s19], [sflag:$0x1] =	stream.indirect.gather [hbm4b:s4+s23], $0x80, s9, s23, $0xb8;
	[tilespmem:$0x18800] =	vst v63  }
0xda: {  	_ =	swait.ge [sflag:s28], $0x2000  }
0xdb: {  	[sflag:s28] =	ssyncset.done $0x0  }
0xdc: {  	[sflag:s28] =	ssyncadd.s32 $0xFFFFE000  }
0xdd: {  	[spmem:s1] =	stream.indirect.scatter.add.f32 [tilespmem:s24], [sflag:$0x3], $0x80, s10, s23, $0xb8;
	[tilespmem:$0x18800] =	vst v63  }
0xde: {  	_ =	swait.ge [sflag:s20], $0x2000  }
0xdf: {  	[sflag:s20] =	ssyncset.done $0x0  }
0xe0: {  	[sflag:s20] =	ssyncadd.s32 $0xFFFFE000  }
0xe1: {  	[tilespmem:s24], [sflag:$0x2] =	stream.indirect.gather [hbm4b:s4+s23], $0x80, s11, s23, $0xb8;
	[tilespmem:$0x18800] =	vst v63  }
0xe2: {  	_ =	swait.ge [sflag:s25], $0x2000  }
0xe3: {  	[sflag:s25] =	ssyncset.done $0x0  }
0xe4: {  	[sflag:s25] =	ssyncadd.s32 $0xFFFFE000  }
0xe5: {  	[spmem:s1] =	stream.indirect.scatter.add.f32 [tilespmem:s19], [sflag:$0x3], $0x80, s12, s23, $0xb8;
	[tilespmem:$0x18800] =	vst v63  }
0xe6: {  	_ =	swait.ge [sflag:s20], $0x2000  }
0xe7: {  	[sflag:s20] =	ssyncset.done $0x0  }
0xe8: {  	p0 =	sne.s32 s15, $0x1;
	[sflag:s20] =	ssyncadd.s32 $0xFFFFE000  }
.Ltmp2:
0xe9: {  	_ =	swait.ge [sflag:s28], $0x2000;
	(pc) =	sbr.rel @p0 .LBB2_4-.Ltmp2, $4  }
0xea: {  	[sflag:s28] =	ssyncset.done $0x0  }
0xeb: {  	[sflag:s28] =	ssyncadd.s32 $0xFFFFE000  }
0xec: {  	[spmem:s1] =	stream.indirect.scatter.add.f32 [tilespmem:s24], [sflag:$0x3], $0x80, s13, s23, $0xb8;
	[tilespmem:$0x18800] =	vst v63  }
0xed: {  	s15 =	sadd.s32 $0xFFFFFFFF, s15;
	_ =	swait.ge [sflag:s20], $0x2000  }
.LBB2_5:
0xee: {  	[sflag:s20] =	ssyncset.done $0x0  }
0xef: {  	s6 =	stileid.u32;
	[sflag:s20] =	ssyncadd.s32 $0xFFFFE000  }
0xf0: {  	s6 =	sshll.u32 s6, $0x6;
	[bflag:$0x0] =	sbarrier.arrive $0xFFFF  }
0xf1: {  	s15 =	sshrl.u32 s5, $0x3;
	s6 =	sor.u32 $0x1C03, s6;
	s17 =	rddreg [dreg:$0x7]  }
0xf2: {  	[hbm:s17], [sflag:s6] =	dma.local [spmem:s15], $0x2800  }
0xf3: {  	_ =	swait.ge [sflag:s20], $0x2800  }
0xf4: {  	s14 =	sadd.s32 $0x1, s14;
	s18 =	rddreg [dreg:$0x8]  }
0xf5: {  	p0 =	sne.s32 s14, s18  }
.Ltmp3:
0xf6: {  	_ = 	snop;
	(pc) =	sbr.rel @p0 .LBB2_1-.Ltmp3, $3  }
0xf7: {  	_ =	sdelay $0x1  }
0xf8: {  	[sflag:s20] =	ssyncset.done $0x0  }
0xf9: {  	[sflag:s20] =	ssyncadd.s32 $0xFFFFD800  }
0xfa: {  	_ =	sfence.sel $0x180000  }
0xfb: {  	[bflag:$0x0] =	sbarrier.arrive $0xFFFF  }
0xfc: {  	_ =	strace $0x9000004A  }
0xfd: {  	s0 =	stileid.u32;
	[bflag:$0x2] =	sbarrier.arrive $0xFFFF  }
0xfe: {  	p0 =	sne.s32 s0, $0x0;
	s0 =	rddreg [dreg:$0x2]  }
0xff: {  	s0 =	sadd.s32 @!p0 $0x100000, s0  }
0x100: {  	[sflag:s0] =	ssyncadd.tile.s32 @!p0 $0x1;
	_ =	shalt  }
.Lfunc_end2:
_tile_overlayer_lowered:
.L_overlay_start_2:
0x101: {  	(tag) =	ssettag $0x2  }
0x102: {  	s0 =	rddreg [dreg:$0x0];
	s2 =	stileid.u32  }
0x103: {  	s1 =	rddreg [dreg:$0x1];
	p0 =	sne.s32 s2, $0x0  }
0x104: {  	s3 =	rddreg [dreg:$0x2];
	[bflag:$0x3] =	sbarrier.arrive $0xFFFF;
	s2 =	simm.s32 @!p0 $0x1C03  }
0x105: {  	[timem:s3], [sflag:s2] =	dma.local @!p0 [hbm:s0], s1  }
0x106: {  	s0 =	simm.s32 @!p0 $0x3  }
0x107: {  	_ =	swait.ge @!p0 [sflag:s0], s1  }
0x108: {  	s1 =	ssub.s32 @!p0 $0x0, s1;
	[sflag:s0] =	ssyncset.done @!p0 $0x0  }
0x109: {  	[sflag:s0] =	ssyncadd.s32 @!p0 s1  }
0x10a: {  	[bflag:$0x3] =	sbarrier.arrive $0xFFFF  }
0x10b: {  	_ =	shalt  }

// kernel: kernel.14.cloned.1.call-start
scs
__scs_entry_jumppad:
0x0: {  	(pc) =	sbr.rel $0x88, $3  }
0x1: {  	(tag) =	ssettag $0x0;
	lr =	simm.s32 $0x1  }
0x2: {  	[smem:$0x3F9B] =	sst lr;
	_ =	strace $0xD0000000  }
0x3: {  	_ = 	snop  }
0x4: {  	_ = 	snop  }
0x5: {  	_ = 	snop  }
0x6: {  	_ = 	snop  }
0x7: {  	_ = 	snop  }
__scs_overlays_trampoline_lowered:
0x8: {  	[smem:$0x3FAA] =	sst s0  }
0x9: {  	[smem:$0x3FAB] =	sst s1  }
0xa: {  	[smem:$0x3FAC] =	sst s2  }
0xb: {  	[smem:$0x3FAD] =	sst s3  }
0xc: {  	[smem:$0x3FAE] =	sst s4  }
0xd: {  	[smem:$0x3FAF] =	sst s5  }
0xe: {  	[smem:$0x3FB0] =	sst s6  }
0xf: {  	[smem:$0x3FB1] =	sst s7  }
0x10: {  	[smem:$0x3FB2] =	sst s8  }
0x11: {  	[smem:$0x3FB3] =	sst s9;
	s0 =	simm.s32 @!p0 $0x0  }
0x12: {  	s1 =	sld [smem:$0x3F99];
	s0 =	simm.s32 @p0 $0x1  }
0x13: {  	[smem:$0x3FB4] =	sst s0;
	s0 =	simm.s32 @!p1 $0x0  }
0x14: {  	s2 =	sld [smem:$0x3F98];
	s0 =	simm.s32 @p1 $0x1  }
0x15: {  	[smem:$0x3FB5] =	sst s0;
	s0 =	simm.s32 @!p2 $0x0  }
0x16: {  	s3 =	sld [smem:$0x3FDB];
	s0 =	simm.s32 @p2 $0x1  }
0x17: {  	s4 =	simm.s32 $0x1BF5;
	[smem:$0x3FB7] =	sst s0  }
0x18: {  	s0 =	sld [smem:$0x3F9A];
	_ =	swait.ge [sflag:s4], $0x0  }
0x19: {  	s7 =	sld [smem:$0x3F9B]  }
0x1a: {  	s8 =	sadd.s32 $0xFFFFE003, lr  }
0x1b: {  	s9 =	sadd.s32 $0xFFFFFEF7, lr;
	s5 =	simm.s32 $0xFFFFFFFF;
	p2 =	slt.u32 s8, $0xFFFFF086  }
0x1c: {  	p1 =	slt.u32 s9, $0xF7A;
	s5 =	simm.s32 @!p2 $0x0  }
0x1d: {  	s5 =	simm.s32 @p1 $0x1;
	p0 =	seq.s32 s7, s2  }
0x1e: {  	s7 =	smul.u32 @!p0 $0xF7A, s2;
	p2 =	seq.s32 @!p0 s5, $0x0  }
0x1f: {  	s9 =	smul.u32 $0xF7A, s1;
	s8 =	simm.s32 @!p0 $0x1BF5;
	p2 =	por !p2, p0  }
0x20: {  	[sflag:s8] =	ssyncset.s32 @!p0 $0xFFFFF086;
	s6 =	sadd.s32 @!p0 s3, s7;
	s7 =	simm.s32 @!p0 $0x108  }
0x21: {  	s3 =	sadd.s32 s3, s9;
	s6 =	sadd.s32 @!p0 $0x88, s6;
	s7 =	simm.s32 @p2 $0x1082  }
0x22: {  	[simem:s7], [sflag:s8] =	dma.local @!p0 [hbm:s6], $0xF7A  }
0x23: {  	s9 =	sor.u32 $0xD0000000, s2;
	s6 =	simm.s32 $0x108;
	_ =	swait.ge @!p0 [sflag:s8], $0x0  }
0x24: {  	s3 =	sadd.s32 $0x88, s3;
	s6 =	simm.s32 @!p1 $0x1082;
	[sflag:s4] =	ssyncset.s32 $0xFFFFF086  }
0x25: {  	[simem:s6], [sflag:s4] =	dma.local [hbm:s3], $0xF7A  }
0x26: {  	[smem:$0x3F9B] =	sst s1;
	(tag) =	ssettag s2;
	_ =	strace s9  }
0x27: {  	s1 =	sld [smem:$0x3FAB]  }
0x28: {  	s2 =	sld [smem:$0x3FAC]  }
0x29: {  	s4 =	sld [smem:$0x3FAE]  }
0x2a: {  	p0 =	seq.s32 s5, $0x0;
	s5 =	sld [smem:$0x3FAF]  }
0x2b: {  	s6 =	sld [smem:$0x3FB0]  }
0x2c: {  	s7 =	sld [smem:$0x3FB1]  }
0x2d: {  	s3 =	simm.s32 $0x108;
	s8 =	sld [smem:$0x3FB2]  }
0x2e: {  	s3 =	simm.s32 @!p0 $0x1082;
	s9 =	sld [smem:$0x3FB3]  }
0x2f: {  	lr =	sadd.s32 s0, s3;
	s0 =	sld [smem:$0x3FAA]  }
0x30: {  	s3 =	sld [smem:$0x3FAD]  }
0x31: {  	[smem:$0x3FB6] =	sst s10  }
0x32: {  	s10 =	sld [smem:$0x3FB4];
	_ =	sdelay $0x3  }
0x33: {  	p0 =	seq.s32 s10, $0x1;
	s10 =	sld [smem:$0x3FB6];
	_ =	sdelay $0x3  }
0x34: {  	[smem:$0x3FB6] =	sst s10  }
0x35: {  	s10 =	sld [smem:$0x3FB5];
	_ =	sdelay $0x3  }
0x36: {  	p1 =	seq.s32 s10, $0x1;
	s10 =	sld [smem:$0x3FB6];
	_ =	sdelay $0x3  }
0x37: {  	[smem:$0x3FB6] =	sst s10  }
0x38: {  	s10 =	sld [smem:$0x3FB7]  }
0x39: {  	_ = 	snop;
	(pc) =	sbr.ind lr, $3  }
0x3a: {  	_ = 	snop  }
0x3b: {  	_ = 	snop  }
0x3c: {  	p2 =	seq.s32 s10, $0x1;
	s10 =	sld [smem:$0x3FB6]  }
0x3d: {  	_ =	shalt  }
0x3e: {  	_ =	shalt  }
0x3f: {  	_ =	shalt  }
0x40: {  	_ =	shalt  }
0x41: {  	_ =	shalt  }
0x42: {  	_ =	shalt  }
0x43: {  	_ =	shalt  }
0x44: {  	_ =	shalt  }
0x45: {  	_ =	shalt  }
0x46: {  	_ =	shalt  }
0x47: {  	_ =	shalt  }
0x48: {  	_ =	shalt  }
0x49: {  	_ =	shalt  }
0x4a: {  	_ =	shalt  }
0x4b: {  	_ =	shalt  }
0x4c: {  	_ =	shalt  }
0x4d: {  	_ =	shalt  }
0x4e: {  	_ =	shalt  }
0x4f: {  	_ =	shalt  }
0x50: {  	_ =	shalt  }
0x51: {  	_ =	shalt  }
0x52: {  	_ =	shalt  }
0x53: {  	_ =	shalt  }
0x54: {  	_ =	shalt  }
0x55: {  	_ =	shalt  }
0x56: {  	_ =	shalt  }
0x57: {  	_ =	shalt  }
0x58: {  	_ =	shalt  }
0x59: {  	_ =	shalt  }
0x5a: {  	_ =	shalt  }
0x5b: {  	_ =	shalt  }
0x5c: {  	_ =	shalt  }
0x5d: {  	_ =	shalt  }
0x5e: {  	_ =	shalt  }
0x5f: {  	_ =	shalt  }
0x60: {  	_ =	shalt  }
0x61: {  	_ =	shalt  }
0x62: {  	_ =	shalt  }
0x63: {  	_ =	shalt  }
0x64: {  	_ =	shalt  }
0x65: {  	_ =	shalt  }
0x66: {  	_ =	shalt  }
0x67: {  	_ =	shalt  }
0x68: {  	_ =	shalt  }
0x69: {  	_ =	shalt  }
0x6a: {  	_ =	shalt  }
0x6b: {  	_ =	shalt  }
0x6c: {  	_ =	shalt  }
0x6d: {  	_ =	shalt  }
0x6e: {  	_ =	shalt  }
0x6f: {  	_ =	shalt  }
0x70: {  	_ =	shalt  }
0x71: {  	_ =	shalt  }
0x72: {  	_ =	shalt  }
0x73: {  	_ =	shalt  }
0x74: {  	_ =	shalt  }
0x75: {  	_ =	shalt  }
0x76: {  	_ =	shalt  }
0x77: {  	_ =	shalt  }
0x78: {  	_ =	shalt  }
0x79: {  	_ =	shalt  }
0x7a: {  	_ =	shalt  }
0x7b: {  	_ =	shalt  }
0x7c: {  	_ =	shalt  }
0x7d: {  	_ =	shalt  }
0x7e: {  	_ =	shalt  }
0x7f: {  	_ =	shalt  }
0x80: {  	_ =	shalt  }
0x81: {  	_ =	shalt  }
0x82: {  	_ =	shalt  }
0x83: {  	_ =	shalt  }
0x84: {  	_ =	shalt  }
0x85: {  	_ =	shalt  }
0x86: {  	_ =	shalt  }
0x87: {  	_ =	shalt  }
.Lfunc_end0:
.L_simem_size_0:
called_computation.2_lowered:
.L_overlay_start_0:
0x88: {  	s2 =	sld [smem:$0x3FD9]  }
0x89: {  	s3 =	sld [smem:$0x3FFE];
	_ =	sdelay $0x1  }
0x8a: {  	s1 =	srdreg.scid  }
0x8b: {  	s0 =	sand.u32 $0x1, s1  }
0x8c: {  	s16 =	sshll.u32 s0, $0xA;
	s2 =	sadd.s32 s3, s2  }
0x8d: {  	s2 =	sadd.s32 s2, s16  }
0x8e: {  	[smem:$0x3FC2] =	sst s2  }
0x8f: {  	_ = 	snop  }
0x90: {  	(tm) =	ssettm $0x1  }
0x91: {  	s17 =	sld [smem:$0x3FFB];
	_ =	sdelay $0x3  }
0x92: {  	_ =	strace s17  }
0x93: {  	s2 =	sld [smem:$0x3FFC];
	_ =	sdelay $0x3  }
0x94: {  	_ =	strace s2  }
0x95: {  	s2 =	sld [smem:$0x3FFD];
	_ =	sdelay $0x3  }
0x96: {  	_ =	strace s2  }
0x97: {  	_ =	strace $0x8FFFFFFF  }
0x98: {  	s18 =	sld [smem:$0x3FDB];
	_ =	sdelay $0x1  }
0x99: {  	s19 =	simm.s32 $_scs_section_size  }
0x9a: {  	s4 =	simm.s32 $_size__tile_overlayer_lowered;
	s5 =	simm.s32 $_tile_overlayer_lowered  }
0x9b: {  	s22 =	simm.s32 $0x1BFF;
	s21 =	sshll.u32 s5, $0x1;
	s2 =	sadd.s32 s19, s18  }
0x9c: {  	s6 =	simm.s32 $0x0;
	s20 =	sshll.u32 s4, $0x1;
	s4 =	sadd.s32 s21, s2  }
0x9d: {  	[timem:s6], [sflag:s22] =	dma.local [hbm:s4], s20  }
0x9e: {  	_ =	swait.ge [sflag:s22], s20  }
0x9f: {  	s3 =	ssub.s32 $0x0, s20;
	[sflag:s22] =	ssyncset.done $0x0  }
0xa0: {  	[sflag:s22] =	ssyncadd.s32 s3;
	_ =	sdelay $0x1  }
0xa1: {  	s23 =	simm.s32 $0x1B8B  }
0xa2: {  	_ =	swait.ge [sflag:s23], $0x1  }
0xa3: {  	[sflag:s23] =	ssyncset.done $0x0  }
0xa4: {  	s25 =	simm.s32 $0x1B8E;
	s24 =	sld [smem:$0x3FFE];
	[sflag:s23] =	ssyncadd.s32 $0xFFFFFFFF  }
0xa5: {  	s26 =	simm.s32 $execute0_lowered;
	[smem:$0x3FD2] =	sst s25  }
0xa6: {  	s4 =	sshll.u32 s26, $0x1;
	_ =	strace $0x8000004C;
	[dreg:$0x1] =	wrdreg $0xFFFFFFFF  }
0xa7: {  	s28 =	simm.s32 $_size_execute0_lowered;
	s2 =	sadd.s32 s2, s4;
	[dreg:$0x0] =	wrdreg $0x0  }
0xa8: {  	s4 =	sshll.u32 s28, $0x1;
	[dreg:$0x2] =	wrdreg s2  }
0xa9: {  	[dreg:$0x3] =	wrdreg s4  }
0xaa: {  	[dreg:$0x4] =	wrdreg $0xC0  }
0xab: {  	_ =	task [dreg:s6], $0x5FFFF  }
0xac: {  	[dreg:$0x1] =	wrdreg $0xFFFFFFFF  }
0xad: {  	[dreg:$0x0] =	wrdreg $0x60  }
0xae: {  	[dreg:$0x2] =	wrdreg s24  }
0xaf: {  	[dreg:$0x3] =	wrdreg $0x0  }
0xb0: {  	[dreg:$0x4] =	wrdreg $0x9  }
0xb1: {  	_ =	task.clear_ibuf [dreg:s6], $0x5FFFF;
	_ =	strace $0x9000004C  }
0xb2: {  	s29 =	simm.s32 $0x9;
	_ =	strace $0x8000004E  }
0xb3: {  	_ =	swait.ge [sflag:s29], $0x1  }
0xb4: {  	[sflag:s29] =	ssyncadd.s32 $0xFFFFFFFF  }
0xb5: {  	_ =	strace $0x9000004E  }
0xb6: {  	_ =	sfence  }
0xb7: {  	s30 =	sld [smem:$0x0];
	_ =	sdelay $0x2  }
0xb8: {  	s31 =	sshll.u32 s1, $0xD;
	s1 =	sshrl.u32 s1, $0x2  }
0xb9: {  	s3 =	sand.u32 $0x4000, s31;
	s1 =	sadd.s32 s1, s30  }
0xba: {  	s0 =	sor.u32 s3, s0;
	s1 =	sshll.u32 s1, $0x11  }
0xbb: {  	s0 =	sor.u32 s1, s0  }
0xbc: {  	s0 =	sadd.s32 $0x8F2B, s0  }
0xbd: {  	[sflag:s0] =	ssyncadd.remote.s32 $0x1  }
0xbe: {  	_ =	sfence.sel $0xFFFF  }
0xbf: {  	[dreg:$0x0] =	wrdreg $0xFFFFFFFF;
	(pc) =	sbr.abs _section_cstart, $3  }
0xc0: {  	[dreg:$0x1] =	wrdreg $0xFFFFFFFF  }
0xc1: {  	_ =	task.clear_ibuf [dreg:s6], $0x2FFFF;
	_ =	strace $0x9FFFFFFF  }
0xc2: {  	(tm) =	ssettm $0x7FFFFFFF  }
0xc3: {  	_ =	shalt  }
tec
execute0_lowered:
.L_overlay_start_1:
0x0: {  	(tag) =	ssettag $0x1  }
0x1: {  	s0 =	rddreg [dreg:$0x0]  }
0x2: {  	s1 =	rddreg [dreg:$0x1]  }
0x3: {  	s2 =	srdreg.scid;
	s3 =	simm.s32 $0x0;
	s10 =	stileid.u32  }
0x4: {  	s26 =	simm.s32 $0x14480;
	s28 =	simm.s32 $0x2;
	s29 =	simm.s32 $0x14080  }
0x5: {  	s30 =	simm.s32 $0x14580;
	s31 =	simm.s32 $0x14100;
	s2 =	sand.u32 $0x1, s2  }
0x6: {  	[smem:$0x7FF] =	sst s3;
	s6 =	smul.u32 $0x14000, s10;
	s7 =	sadd.s32 $0x2400, s0  }
0x7: {  	s4 =	sadd.s32 $0x29800, s0;
	s8 =	sadd.s32 $0x15E00, s0;
	s9 =	smul.u32 $0x50000, s10  }
0x8: {  	s14 =	smul.u32 $0x14, s10;
	_ =	strace $0x8000004D;
	[dreg:$0x3] =	wrdreg s7  }
0x9: {  	s5 =	smul.u32 $0x140000, s2;
	[dreg:$0x4] =	wrdreg s8;
	s11 =	ssub.s32 $0x2, s2  }
0xa: {  	s8 =	sshll.u32 s2, $0x4;
	s2 =	smul.u32 $0x140, s2;
	[dreg:$0x5] =	wrdreg s26  }
0xb: {  	s12 =	sshrl.u32 s11, $0x1;
	s7 =	sshrl.u32 s9, $0x2;
	s13 =	sor.u32 s10, s8  }
0xc: {  	s5 =	sadd.s32 s6, s5;
	p0 =	slt.u32 s13, $0x11;
	s6 =	simm.s32 $0x14  }
0xd: {  	s9 =	ssub.s32 s11, s12;
	s5 =	sshrl.u32 s5, $0x3;
	s6 =	simm.s32 @!p0 $0x13  }
0xe: {  	s15 =	smax.u32 s9, $0x1;
	s0 =	sadd.s32 s5, s0;
	[dreg:$0x6] =	wrdreg s6  }
0xf: {  	s5 =	sadd.s32 s7, s1;
	[dreg:$0x8] =	wrdreg s15;
	s0 =	sadd.s32 $0x50A00, s0  }
0x10: {  	s26 =	simm.s32 $0x14500;
	s16 =	sadd.s32 $0x2000, s5;
	[dreg:$0x7] =	wrdreg s0  }
0x11: {  	s8 =	simm.s32 $0x14200;
	s17 =	sadd.s32 $0x4000, s5;
	[dreg:$0x9] =	wrdreg s16  }
0x12: {  	s10 =	simm.s32 $0x14280;
	s18 =	sadd.s32 $0x6000, s5;
	[dreg:$0xa] =	wrdreg s17  }
0x13: {  	s19 =	smax.u32 s13, $0x11;
	s20 =	sadd.s32 $0x8000, s5;
	[dreg:$0xb] =	wrdreg s18  }
0x14: {  	s11 =	simm.s32 $0x14780;
	s21 =	sadd.s32 $0xA000, s5;
	[dreg:$0xc] =	wrdreg s20  }
0x15: {  	s12 =	simm.s32 $0x14300;
	s22 =	sadd.s32 $0xC000, s5;
	[dreg:$0xd] =	wrdreg s21  }
0x16: {  	s13 =	simm.s32 $0x14380;
	s23 =	sadd.s32 $0xE000, s5;
	[dreg:$0xe] =	wrdreg s22  }
0x17: {  	s9 =	simm.s32 $0x14700;
	s24 =	sadd.s32 $0x10000, s5;
	[dreg:$0xf] =	wrdreg s23  }
0x18: {  	s7 =	simm.s32 $0x14680;
	s25 =	sadd.s32 $0x12000, s5;
	[dreg:$0x10] =	wrdreg s24  }
0x19: {  	s0 =	sadd.s32 s14, s2;
	[dreg:$0x11] =	wrdreg s25;
	s20 =	simm.s32 $0x3  }
0x1a: {  	s21 =	simm.s32 $0x14000;
	s22 =	simm.s32 $0x14400;
	s23 =	simm.s32 $0x40  }
0x1b: {  	s24 =	simm.s32 $0x16800;
	s25 =	simm.s32 $0x1;
	s0 =	ssub.s32 s0, s19  }
0x1c: {  	s2 =	simm.s32 $0x14180;
	s14 =	simm.s32 $0x0;
	s0 =	sshll.u32 s0, $0x7  }
0x1d: {  	v0 =	vimm.f32 $0.0e+00;
	s19 =	simm.s32 $0x14800;
	s16 =	sadd.s32 $0x880, s0;
	s0 =	simm.s32 $0x14600  }
.LBB2_1:
0x1e: {  	s15 =	simm.s32 $0x0;
	s18 =	simm.s32 $0x200  }
.LBB2_2:
0x1f: {  	p0 =	sne.s32 s18, $0x7E00;
	[tilespmem:s15+$0x14870] =	vst v0  }
0x20: {  	[tilespmem:s15+$0x14800] =	vst v0  }
0x21: {  	[tilespmem:s15+$0x14810] =	vst v0  }
.Ltmp0:
0x22: {  	[tilespmem:s15+$0x14820] =	vst v0;
	(pc) =	sbr.rel @p0 .LBB2_2-.Ltmp0, $4  }
0x23: {  	[tilespmem:s15+$0x14830] =	vst v0  }
0x24: {  	[tilespmem:s15+$0x14840] =	vst v0  }
0x25: {  	[tilespmem:s15+$0x14850] =	vst v0  }
0x26: {  	[tilespmem:s15+$0x14860] =	vst v0;
	s15 =	sshra.s32 s18, $0x2;
	s18 =	sadd.s32 $0x200, s18  }
0x27: {  	[tilespmem:s15+$0x14870] =	vst v0  }
0x28: {  	[tilespmem:s15+$0x14800] =	vst v0  }
0x29: {  	[tilespmem:s15+$0x14810] =	vst v0  }
0x2a: {  	[tilespmem:s15+$0x14820] =	vst v0  }
0x2b: {  	[tilespmem:s15+$0x14830] =	vst v0  }
0x2c: {  	[tilespmem:s15+$0x14840] =	vst v0  }
0x2d: {  	[tilespmem:s15+$0x14850] =	vst v0  }
0x2e: {  	[tilespmem:s15+$0x14860] =	vst v0  }
0x2f: {  	[spmem:s5] =	stream.linear.scatter [tilespmem:s19], [sflag:$0x3], $0x2000, $0x38;
	[tilespmem:$0x18800] =	vst v63  }
0x30: {  	_ =	swait.ge [sflag:s20], $0x2000  }
0x31: {  	[sflag:s20] =	ssyncset.done $0x0  }
0x32: {  	s6 =	rddreg [dreg:$0x9];
	[sflag:s20] =	ssyncadd.s32 $0xFFFFE000  }
0x33: {  	[spmem:s6] =	stream.linear.scatter [tilespmem:s19], [sflag:$0x3], $0x2000, $0x38;
	[tilespmem:$0x18800] =	vst v63  }
0x34: {  	_ =	swait.ge [sflag:s20], $0x2000  }
0x35: {  	[sflag:s20] =	ssyncset.done $0x0  }
0x36: {  	s18 =	rddreg [dreg:$0xa];
	[sflag:s20] =	ssyncadd.s32 $0xFFFFE000  }
0x37: {  	[spmem:s18] =	stream.linear.scatter [tilespmem:s19], [sflag:$0x3], $0x2000, $0x38;
	[tilespmem:$0x18800] =	vst v63  }
0x38: {  	_ =	swait.ge [sflag:s20], $0x2000  }
0x39: {  	[sflag:s20] =	ssyncset.done $0x0  }
0x3a: {  	s15 =	rddreg [dreg:$0xb];
	[sflag:s20] =	ssyncadd.s32 $0xFFFFE000  }
0x3b: {  	[spmem:s15] =	stream.linear.scatter [tilespmem:s19], [sflag:$0x3], $0x2000, $0x38;
	[tilespmem:$0x18800] =	vst v63  }
0x3c: {  	_ =	swait.ge [sflag:s20], $0x2000  }
0x3d: {  	[sflag:s20] =	ssyncset.done $0x0  }
0x3e: {  	s17 =	rddreg [dreg:$0xc];
	[sflag:s20] =	ssyncadd.s32 $0xFFFFE000  }
0x3f: {  	[spmem:s17] =	stream.linear.scatter [tilespmem:s19], [sflag:$0x3], $0x2000, $0x38;
	[tilespmem:$0x18800] =	vst v63  }
0x40: {  	_ =	swait.ge [sflag:s20], $0x2000  }
0x41: {  	[sflag:s20] =	ssyncset.done $0x0  }
0x42: {  	s18 =	rddreg [dreg:$0xd];
	[sflag:s20] =	ssyncadd.s32 $0xFFFFE000  }
0x43: {  	[spmem:s18] =	stream.linear.scatter [tilespmem:s19], [sflag:$0x3], $0x2000, $0x38;
	[tilespmem:$0x18800] =	vst v63  }
0x44: {  	_ =	swait.ge [sflag:s20], $0x2000  }
0x45: {  	[sflag:s20] =	ssyncset.done $0x0  }
0x46: {  	s15 =	rddreg [dreg:$0xe];
	[sflag:s20] =	ssyncadd.s32 $0xFFFFE000  }
0x47: {  	[spmem:s15] =	stream.linear.scatter [tilespmem:s19], [sflag:$0x3], $0x2000, $0x38;
	[tilespmem:$0x18800] =	vst v63  }
0x48: {  	_ =	swait.ge [sflag:s20], $0x2000  }
0x49: {  	[sflag:s20] =	ssyncset.done $0x0  }
0x4a: {  	s17 =	rddreg [dreg:$0xf];
	[sflag:s20] =	ssyncadd.s32 $0xFFFFE000  }
0x4b: {  	[spmem:s17] =	stream.linear.scatter [tilespmem:s19], [sflag:$0x3], $0x2000, $0x38;
	[tilespmem:$0x18800] =	vst v63  }
0x4c: {  	_ =	swait.ge [sflag:s20], $0x2000  }
0x4d: {  	[sflag:s20] =	ssyncset.done $0x0  }
0x4e: {  	s18 =	rddreg [dreg:$0x10];
	[sflag:s20] =	ssyncadd.s32 $0xFFFFE000  }
0x4f: {  	[spmem:s18] =	stream.linear.scatter [tilespmem:s19], [sflag:$0x3], $0x2000, $0x38;
	[tilespmem:$0x18800] =	vst v63  }
0x50: {  	_ =	swait.ge [sflag:s20], $0x2000  }
0x51: {  	[sflag:s20] =	ssyncset.done $0x0  }
0x52: {  	s15 =	rddreg [dreg:$0x11];
	[sflag:s20] =	ssyncadd.s32 $0xFFFFE000  }
0x53: {  	[spmem:s15] =	stream.linear.scatter [tilespmem:s19], [sflag:$0x3], $0x2000, $0x38;
	[tilespmem:$0x18800] =	vst v63  }
0x54: {  	_ =	swait.ge [sflag:s20], $0x2000  }
0x55: {  	[sflag:s20] =	ssyncset.done $0x0  }
0x56: {  	[sflag:s20] =	ssyncadd.s32 $0xFFFFE000  }
0x57: {  	[bflag:$0x0] =	sbarrier.arrive $0xFFFF  }
0x58: {  	s18 =	sand.u32 $0x1FFFFF80, s16;
	s17 =	rddreg [dreg:$0x3]  }
0x59: {  	s15 =	sadd.s32 s17, s18  }
0x5a: {  	[tilespmem:s21], [sflag:$0x3] =	stream.linear.gather [hbm4b:s15+s3], $0x400, $0x38;
	[tilespmem:$0x18800] =	vst v63  }
0x5b: {  	_ =	swait.ge [sflag:s20], $0x400  }
0x5c: {  	s6 =	rddreg [dreg:$0x4];
	[sflag:s20] =	ssyncset.done $0x0  }
0x5d: {  	[sflag:s20] =	ssyncadd.s32 $0xFFFFFC00;
	s15 =	sadd.s32 s6, s18  }
0x5e: {  	[tilespmem:s22], [sflag:$0x3] =	stream.linear.gather [hbm4b:s15+s3], $0x400, $0x38;
	[tilespmem:$0x18800] =	vst v63  }
0x5f: {  	_ =	swait.ge [sflag:s20], $0x400  }
0x60: {  	[sflag:s20] =	ssyncset.done $0x0  }
0x61: {  	[sflag:s20] =	ssyncadd.s32 $0xFFFFFC00  }
0x62: {  	[tilespmem:s19], [sflag:$0x1] =	stream.indirect.gather [hbm4b:s4+s23], $0x80, s22, s23, $0xb8;
	[tilespmem:$0x18800] =	vst v63  }
0x63: {  	s17 =	rddreg [dreg:$0x5]  }
0x64: {  	[tilespmem:s24], [sflag:$0x2] =	stream.indirect.gather [hbm4b:s4+s23], $0x80, s17, s23, $0xb8;
	[tilespmem:$0x18800] =	vst v63  }
0x65: {  	_ =	swait.ge [sflag:s25], $0x2000  }
0x66: {  	[sflag:s25] =	ssyncset.done $0x0  }
0x67: {  	[sflag:s25] =	ssyncadd.s32 $0xFFFFE000  }
0x68: {  	[spmem:s1] =	stream.indirect.scatter.add.f32 [tilespmem:s19], [sflag:$0x3], $0x80, s21, s23, $0xb8;
	[tilespmem:$0x18800] =	vst v63  }
0x69: {  	_ =	swait.ge [sflag:s20], $0x2000  }
0x6a: {  	[sflag:s20] =	ssyncset.done $0x0  }
0x6b: {  	[sflag:s20] =	ssyncadd.s32 $0xFFFFE000  }
0x6c: {  	[tilespmem:s19], [sflag:$0x1] =	stream.indirect.gather [hbm4b:s4+s23], $0x80, s26, s23, $0xb8;
	[tilespmem:$0x18800] =	vst v63  }
0x6d: {  	_ =	swait.ge [sflag:s28], $0x2000  }
0x6e: {  	[sflag:s28] =	ssyncset.done $0x0  }
0x6f: {  	[sflag:s28] =	ssyncadd.s32 $0xFFFFE000  }
0x70: {  	[spmem:s1] =	stream.indirect.scatter.add.f32 [tilespmem:s24], [sflag:$0x3], $0x80, s29, s23, $0xb8;
	[tilespmem:$0x18800] =	vst v63  }
0x71: {  	_ =	swait.ge [sflag:s20], $0x2000  }
0x72: {  	[sflag:s20] =	ssyncset.done $0x0  }
0x73: {  	[sflag:s20] =	ssyncadd.s32 $0xFFFFE000  }
0x74: {  	[tilespmem:s24], [sflag:$0x2] =	stream.indirect.gather [hbm4b:s4+s23], $0x80, s30, s23, $0xb8;
	[tilespmem:$0x18800] =	vst v63  }
0x75: {  	_ =	swait.ge [sflag:s25], $0x2000  }
0x76: {  	[sflag:s25] =	ssyncset.done $0x0  }
0x77: {  	[sflag:s25] =	ssyncadd.s32 $0xFFFFE000  }
0x78: {  	[spmem:s1] =	stream.indirect.scatter.add.f32 [tilespmem:s19], [sflag:$0x3], $0x80, s31, s23, $0xb8;
	[tilespmem:$0x18800] =	vst v63  }
0x79: {  	_ =	swait.ge [sflag:s20], $0x2000  }
0x7a: {  	[sflag:s20] =	ssyncset.done $0x0  }
0x7b: {  	[sflag:s20] =	ssyncadd.s32 $0xFFFFE000  }
0x7c: {  	[tilespmem:s19], [sflag:$0x1] =	stream.indirect.gather [hbm4b:s4+s23], $0x80, s0, s23, $0xb8;
	[tilespmem:$0x18800] =	vst v63  }
0x7d: {  	_ =	swait.ge [sflag:s28], $0x2000  }
0x7e: {  	[sflag:s28] =	ssyncset.done $0x0  }
0x7f: {  	[sflag:s28] =	ssyncadd.s32 $0xFFFFE000  }
0x80: {  	[spmem:s1] =	stream.indirect.scatter.add.f32 [tilespmem:s24], [sflag:$0x3], $0x80, s2, s23, $0xb8;
	[tilespmem:$0x18800] =	vst v63  }
0x81: {  	_ =	swait.ge [sflag:s20], $0x2000  }
0x82: {  	[sflag:s20] =	ssyncset.done $0x0  }
0x83: {  	[sflag:s20] =	ssyncadd.s32 $0xFFFFE000  }
0x84: {  	[tilespmem:s24], [sflag:$0x2] =	stream.indirect.gather [hbm4b:s4+s23], $0x80, s7, s23, $0xb8;
	[tilespmem:$0x18800] =	vst v63  }
0x85: {  	_ =	swait.ge [sflag:s25], $0x2000  }
0x86: {  	[sflag:s25] =	ssyncset.done $0x0  }
0x87: {  	[sflag:s25] =	ssyncadd.s32 $0xFFFFE000  }
0x88: {  	[spmem:s1] =	stream.indirect.scatter.add.f32 [tilespmem:s19], [sflag:$0x3], $0x80, s8, s23, $0xb8;
	[tilespmem:$0x18800] =	vst v63  }
0x89: {  	_ =	swait.ge [sflag:s20], $0x2000  }
0x8a: {  	[sflag:s20] =	ssyncset.done $0x0  }
0x8b: {  	[sflag:s20] =	ssyncadd.s32 $0xFFFFE000  }
0x8c: {  	[tilespmem:s19], [sflag:$0x1] =	stream.indirect.gather [hbm4b:s4+s23], $0x80, s9, s23, $0xb8;
	[tilespmem:$0x18800] =	vst v63  }
0x8d: {  	_ =	swait.ge [sflag:s28], $0x2000  }
0x8e: {  	[sflag:s28] =	ssyncset.done $0x0  }
0x8f: {  	[sflag:s28] =	ssyncadd.s32 $0xFFFFE000  }
0x90: {  	[spmem:s1] =	stream.indirect.scatter.add.f32 [tilespmem:s24], [sflag:$0x3], $0x80, s10, s23, $0xb8;
	[tilespmem:$0x18800] =	vst v63  }
0x91: {  	_ =	swait.ge [sflag:s20], $0x2000  }
0x92: {  	[sflag:s20] =	ssyncset.done $0x0  }
0x93: {  	[sflag:s20] =	ssyncadd.s32 $0xFFFFE000  }
0x94: {  	[tilespmem:s24], [sflag:$0x2] =	stream.indirect.gather [hbm4b:s4+s23], $0x80, s11, s23, $0xb8;
	[tilespmem:$0x18800] =	vst v63  }
0x95: {  	_ =	swait.ge [sflag:s25], $0x2000  }
0x96: {  	[sflag:s25] =	ssyncset.done $0x0  }
0x97: {  	[sflag:s25] =	ssyncadd.s32 $0xFFFFE000  }
0x98: {  	[spmem:s1] =	stream.indirect.scatter.add.f32 [tilespmem:s19], [sflag:$0x3], $0x80, s12, s23, $0xb8;
	[tilespmem:$0x18800] =	vst v63  }
0x99: {  	_ =	swait.ge [sflag:s20], $0x2000  }
0x9a: {  	[sflag:s20] =	ssyncset.done $0x0  }
0x9b: {  	[sflag:s20] =	ssyncadd.s32 $0xFFFFE000  }
0x9c: {  	_ =	swait.ge [sflag:s28], $0x2000  }
0x9d: {  	s18 =	rddreg [dreg:$0x6]  }
0x9e: {  	p0 =	sne.s32 s18, $0x1  }
.Ltmp1:
0x9f: {  	_ = 	snop;
	(pc) =	sbr.rel @!p0 .LBB2_5-.Ltmp1, $4  }
0xa0: {  	[sflag:s28] =	ssyncset.done $0x0  }
0xa1: {  	[sflag:s28] =	ssyncadd.s32 $0xFFFFE000  }
0xa2: {  	[spmem:s1] =	stream.indirect.scatter.add.f32 [tilespmem:s24], [sflag:$0x3], $0x80, s13, s23, $0xb8;
	[tilespmem:$0x18800] =	vst v63  }
0xa3: {  	s15 =	sadd.s32 $0xFFFFFFFF, s18;
	s18 =	smov.u32 s16;
	_ =	swait.ge [sflag:s20], $0x2000  }
.LBB2_4:
0xa4: {  	s18 =	sadd.s32 $0x80, s18  }
0xa5: {  	s17 =	rddreg [dreg:$0x3];
	[sflag:s20] =	ssyncset.done $0x0;
	s6 =	sand.u32 $0x1FFFFF80, s18  }
0xa6: {  	[sflag:s20] =	ssyncadd.s32 $0xFFFFE000;
	s17 =	sadd.s32 s17, s6  }
0xa7: {  	[tilespmem:s21], [sflag:$0x3] =	stream.linear.gather [hbm4b:s17+s3], $0x400, $0x38;
	[tilespmem:$0x18800] =	vst v63  }
0xa8: {  	_ =	swait.ge [sflag:s20], $0x400  }
0xa9: {  	s17 =	rddreg [dreg:$0x4];
	[sflag:s20] =	ssyncset.done $0x0  }
0xaa: {  	[sflag:s20] =	ssyncadd.s32 $0xFFFFFC00;
	s6 =	sadd.s32 s17, s6  }
0xab: {  	[tilespmem:s22], [sflag:$0x3] =	stream.linear.gather [hbm4b:s6+s3], $0x400, $0x38;
	[tilespmem:$0x18800] =	vst v63  }
0xac: {  	_ =	swait.ge [sflag:s20], $0x400  }
0xad: {  	[sflag:s20] =	ssyncset.done $0x0  }
0xae: {  	[sflag:s20] =	ssyncadd.s32 $0xFFFFFC00  }
0xaf: {  	[tilespmem:s19], [sflag:$0x1] =	stream.indirect.gather [hbm4b:s4+s23], $0x80, s22, s23, $0xb8;
	[tilespmem:$0x18800] =	vst v63  }
0xb0: {  	s17 =	rddreg [dreg:$0x5]  }
0xb1: {  	[tilespmem:s24], [sflag:$0x2] =	stream.indirect.gather [hbm4b:s4+s23], $0x80, s17, s23, $0xb8;
	[tilespmem:$0x18800] =	vst v63  }
0xb2: {  	_ =	swait.ge [sflag:s25], $0x2000  }
0xb3: {  	[sflag:s25] =	ssyncset.done $0x0  }
0xb4: {  	[sflag:s25] =	ssyncadd.s32 $0xFFFFE000  }
0xb5: {  	[spmem:s1] =	stream.indirect.scatter.add.f32 [tilespmem:s19], [sflag:$0x3], $0x80, s21, s23, $0xb8;
	[tilespmem:$0x18800] =	vst v63  }
0xb6: {  	_ =	swait.ge [sflag:s20], $0x2000  }
0xb7: {  	[sflag:s20] =	ssyncset.done $0x0  }
0xb8: {  	[sflag:s20] =	ssyncadd.s32 $0xFFFFE000  }
0xb9: {  	[tilespmem:s19], [sflag:$0x1] =	stream.indirect.gather [hbm4b:s4+s23], $0x80, s26, s23, $0xb8;
	[tilespmem:$0x18800] =	vst v63  }
0xba: {  	_ =	swait.ge [sflag:s28], $0x2000  }
0xbb: {  	[sflag:s28] =	ssyncset.done $0x0  }
0xbc: {  	[sflag:s28] =	ssyncadd.s32 $0xFFFFE000  }
0xbd: {  	[spmem:s1] =	stream.indirect.scatter.add.f32 [tilespmem:s24], [sflag:$0x3], $0x80, s29, s23, $0xb8;
	[tilespmem:$0x18800] =	vst v63  }
0xbe: {  	_ =	swait.ge [sflag:s20], $0x2000  }
0xbf: {  	[sflag:s20] =	ssyncset.done $0x0  }
0xc0: {  	[sflag:s20] =	ssyncadd.s32 $0xFFFFE000  }
0xc1: {  	[tilespmem:s24], [sflag:$0x2] =	stream.indirect.gather [hbm4b:s4+s23], $0x80, s30, s23, $0xb8;
	[tilespmem:$0x18800] =	vst v63  }
0xc2: {  	_ =	swait.ge [sflag:s25], $0x2000  }
0xc3: {  	[sflag:s25] =	ssyncset.done $0x0  }
0xc4: {  	[sflag:s25] =	ssyncadd.s32 $0xFFFFE000  }
0xc5: {  	[spmem:s1] =	stream.indirect.scatter.add.f32 [tilespmem:s19], [sflag:$0x3], $0x80, s31, s23, $0xb8;
	[tilespmem:$0x18800] =	vst v63  }
0xc6: {  	_ =	swait.ge [sflag:s20], $0x2000  }
0xc7: {  	[sflag:s20] =	ssyncset.done $0x0  }
0xc8: {  	[sflag:s20] =	ssyncadd.s32 $0xFFFFE000  }
0xc9: {  	[tilespmem:s19], [sflag:$0x1] =	stream.indirect.gather [hbm4b:s4+s23], $0x80, s0, s23, $0xb8;
	[tilespmem:$0x18800] =	vst v63  }
0xca: {  	_ =	swait.ge [sflag:s28], $0x2000  }
0xcb: {  	[sflag:s28] =	ssyncset.done $0x0  }
0xcc: {  	[sflag:s28] =	ssyncadd.s32 $0xFFFFE000  }
0xcd: {  	[spmem:s1] =	stream.indirect.scatter.add.f32 [tilespmem:s24], [sflag:$0x3], $0x80, s2, s23, $0xb8;
	[tilespmem:$0x18800] =	vst v63  }
0xce: {  	_ =	swait.ge [sflag:s20], $0x2000  }
0xcf: {  	[sflag:s20] =	ssyncset.done $0x0  }
0xd0: {  	[sflag:s20] =	ssyncadd.s32 $0xFFFFE000  }
0xd1: {  	[tilespmem:s24], [sflag:$0x2] =	stream.indirect.gather [hbm4b:s4+s23], $0x80, s7, s23, $0xb8;
	[tilespmem:$0x18800] =	vst v63  }
0xd2: {  	_ =	swait.ge [sflag:s25], $0x2000  }
0xd3: {  	[sflag:s25] =	ssyncset.done $0x0  }
0xd4: {  	[sflag:s25] =	ssyncadd.s32 $0xFFFFE000  }
0xd5: {  	[spmem:s1] =	stream.indirect.scatter.add.f32 [tilespmem:s19], [sflag:$0x3], $0x80, s8, s23, $0xb8;
	[tilespmem:$0x18800] =	vst v63  }
0xd6: {  	_ =	swait.ge [sflag:s20], $0x2000  }
0xd7: {  	[sflag:s20] =	ssyncset.done $0x0  }
0xd8: {  	[sflag:s20] =	ssyncadd.s32 $0xFFFFE000  }
0xd9: {  	[tilespmem:s19], [sflag:$0x1] =	stream.indirect.gather [hbm4b:s4+s23], $0x80, s9, s23, $0xb8;
	[tilespmem:$0x18800] =	vst v63  }
0xda: {  	_ =	swait.ge [sflag:s28], $0x2000  }
0xdb: {  	[sflag:s28] =	ssyncset.done $0x0  }
0xdc: {  	[sflag:s28] =	ssyncadd.s32 $0xFFFFE000  }
0xdd: {  	[spmem:s1] =	stream.indirect.scatter.add.f32 [tilespmem:s24], [sflag:$0x3], $0x80, s10, s23, $0xb8;
	[tilespmem:$0x18800] =	vst v63  }
0xde: {  	_ =	swait.ge [sflag:s20], $0x2000  }
0xdf: {  	[sflag:s20] =	ssyncset.done $0x0  }
0xe0: {  	[sflag:s20] =	ssyncadd.s32 $0xFFFFE000  }
0xe1: {  	[tilespmem:s24], [sflag:$0x2] =	stream.indirect.gather [hbm4b:s4+s23], $0x80, s11, s23, $0xb8;
	[tilespmem:$0x18800] =	vst v63  }
0xe2: {  	_ =	swait.ge [sflag:s25], $0x2000  }
0xe3: {  	[sflag:s25] =	ssyncset.done $0x0  }
0xe4: {  	[sflag:s25] =	ssyncadd.s32 $0xFFFFE000  }
0xe5: {  	[spmem:s1] =	stream.indirect.scatter.add.f32 [tilespmem:s19], [sflag:$0x3], $0x80, s12, s23, $0xb8;
	[tilespmem:$0x18800] =	vst v63  }
0xe6: {  	_ =	swait.ge [sflag:s20], $0x2000  }
0xe7: {  	[sflag:s20] =	ssyncset.done $0x0  }
0xe8: {  	p0 =	sne.s32 s15, $0x1;
	[sflag:s20] =	ssyncadd.s32 $0xFFFFE000  }
.Ltmp2:
0xe9: {  	_ =	swait.ge [sflag:s28], $0x2000;
	(pc) =	sbr.rel @p0 .LBB2_4-.Ltmp2, $4  }
0xea: {  	[sflag:s28] =	ssyncset.done $0x0  }
0xeb: {  	[sflag:s28] =	ssyncadd.s32 $0xFFFFE000  }
0xec: {  	[spmem:s1] =	stream.indirect.scatter.add.f32 [tilespmem:s24], [sflag:$0x3], $0x80, s13, s23, $0xb8;
	[tilespmem:$0x18800] =	vst v63  }
0xed: {  	s15 =	sadd.s32 $0xFFFFFFFF, s15;
	_ =	swait.ge [sflag:s20], $0x2000  }
.LBB2_5:
0xee: {  	[sflag:s20] =	ssyncset.done $0x0  }
0xef: {  	s6 =	stileid.u32;
	[sflag:s20] =	ssyncadd.s32 $0xFFFFE000  }
0xf0: {  	s6 =	sshll.u32 s6, $0x6;
	[bflag:$0x0] =	sbarrier.arrive $0xFFFF  }
0xf1: {  	s15 =	sshrl.u32 s5, $0x3;
	s6 =	sor.u32 $0x1C03, s6;
	s17 =	rddreg [dreg:$0x7]  }
0xf2: {  	[hbm:s17], [sflag:s6] =	dma.local [spmem:s15], $0x2800  }
0xf3: {  	_ =	swait.ge [sflag:s20], $0x2800  }
0xf4: {  	s14 =	sadd.s32 $0x1, s14;
	s18 =	rddreg [dreg:$0x8]  }
0xf5: {  	p0 =	sne.s32 s14, s18  }
.Ltmp3:
0xf6: {  	_ = 	snop;
	(pc) =	sbr.rel @p0 .LBB2_1-.Ltmp3, $3  }
0xf7: {  	_ =	sdelay $0x1  }
0xf8: {  	[sflag:s20] =	ssyncset.done $0x0  }
0xf9: {  	[sflag:s20] =	ssyncadd.s32 $0xFFFFD800  }
0xfa: {  	_ =	sfence.sel $0x180000  }
0xfb: {  	[bflag:$0x0] =	sbarrier.arrive $0xFFFF  }
0xfc: {  	_ =	strace $0x9000004D  }
0xfd: {  	s0 =	stileid.u32;
	[bflag:$0x2] =	sbarrier.arrive $0xFFFF  }
0xfe: {  	p0 =	sne.s32 s0, $0x0;
	s0 =	rddreg [dreg:$0x2]  }
0xff: {  	s0 =	sadd.s32 @!p0 $0x100000, s0  }
0x100: {  	[sflag:s0] =	ssyncadd.tile.s32 @!p0 $0x1;
	_ =	shalt  }
.Lfunc_end2:
_tile_overlayer_lowered:
.L_overlay_start_2:
0x101: {  	(tag) =	ssettag $0x2  }
0x102: {  	s0 =	rddreg [dreg:$0x0];
	s2 =	stileid.u32  }
0x103: {  	s1 =	rddreg [dreg:$0x1];
	p0 =	sne.s32 s2, $0x0  }
0x104: {  	s3 =	rddreg [dreg:$0x2];
	[bflag:$0x3] =	sbarrier.arrive $0xFFFF;
	s2 =	simm.s32 @!p0 $0x1C03  }
0x105: {  	[timem:s3], [sflag:s2] =	dma.local @!p0 [hbm:s0], s1  }
0x106: {  	s0 =	simm.s32 @!p0 $0x3  }
0x107: {  	_ =	swait.ge @!p0 [sflag:s0], s1  }
0x108: {  	s1 =	ssub.s32 @!p0 $0x0, s1;
	[sflag:s0] =	ssyncset.done @!p0 $0x0  }
0x109: {  	[sflag:s0] =	ssyncadd.s32 @!p0 s1  }
0x10a: {  	[bflag:$0x3] =	sbarrier.arrive $0xFFFF  }
0x10b: {  	_ =	shalt  }

// kernel: kernel.8.cloned.1.call-start
scs
__scs_entry_jumppad:
0x0: {  	(pc) =	sbr.rel $0x88, $3  }
0x1: {  	(tag) =	ssettag $0x0;
	lr =	simm.s32 $0x1  }
0x2: {  	[smem:$0x3F9B] =	sst lr;
	_ =	strace $0xD0000000  }
0x3: {  	_ = 	snop  }
0x4: {  	_ = 	snop  }
0x5: {  	_ = 	snop  }
0x6: {  	_ = 	snop  }
0x7: {  	_ = 	snop  }
__scs_overlays_trampoline_lowered:
0x8: {  	[smem:$0x3FAA] =	sst s0  }
0x9: {  	[smem:$0x3FAB] =	sst s1  }
0xa: {  	[smem:$0x3FAC] =	sst s2  }
0xb: {  	[smem:$0x3FAD] =	sst s3  }
0xc: {  	[smem:$0x3FAE] =	sst s4  }
0xd: {  	[smem:$0x3FAF] =	sst s5  }
0xe: {  	[smem:$0x3FB0] =	sst s6  }
0xf: {  	[smem:$0x3FB1] =	sst s7  }
0x10: {  	[smem:$0x3FB2] =	sst s8  }
0x11: {  	[smem:$0x3FB3] =	sst s9;
	s0 =	simm.s32 @!p0 $0x0  }
0x12: {  	s1 =	sld [smem:$0x3F99];
	s0 =	simm.s32 @p0 $0x1  }
0x13: {  	[smem:$0x3FB4] =	sst s0;
	s0 =	simm.s32 @!p1 $0x0  }
0x14: {  	s2 =	sld [smem:$0x3F98];
	s0 =	simm.s32 @p1 $0x1  }
0x15: {  	[smem:$0x3FB5] =	sst s0;
	s0 =	simm.s32 @!p2 $0x0  }
0x16: {  	s3 =	sld [smem:$0x3FDB];
	s0 =	simm.s32 @p2 $0x1  }
0x17: {  	s4 =	simm.s32 $0x1BF5;
	[smem:$0x3FB7] =	sst s0  }
0x18: {  	s0 =	sld [smem:$0x3F9A];
	_ =	swait.ge [sflag:s4], $0x0  }
0x19: {  	s7 =	sld [smem:$0x3F9B]  }
0x1a: {  	s8 =	sadd.s32 $0xFFFFE003, lr  }
0x1b: {  	s9 =	sadd.s32 $0xFFFFFEF7, lr;
	s5 =	simm.s32 $0xFFFFFFFF;
	p2 =	slt.u32 s8, $0xFFFFF086  }
0x1c: {  	p1 =	slt.u32 s9, $0xF7A;
	s5 =	simm.s32 @!p2 $0x0  }
0x1d: {  	s5 =	simm.s32 @p1 $0x1;
	p0 =	seq.s32 s7, s2  }
0x1e: {  	s7 =	smul.u32 @!p0 $0xF7A, s2;
	p2 =	seq.s32 @!p0 s5, $0x0  }
0x1f: {  	s9 =	smul.u32 $0xF7A, s1;
	s8 =	simm.s32 @!p0 $0x1BF5;
	p2 =	por !p2, p0  }
0x20: {  	[sflag:s8] =	ssyncset.s32 @!p0 $0xFFFFF086;
	s6 =	sadd.s32 @!p0 s3, s7;
	s7 =	simm.s32 @!p0 $0x108  }
0x21: {  	s3 =	sadd.s32 s3, s9;
	s6 =	sadd.s32 @!p0 $0x88, s6;
	s7 =	simm.s32 @p2 $0x1082  }
0x22: {  	[simem:s7], [sflag:s8] =	dma.local @!p0 [hbm:s6], $0xF7A  }
0x23: {  	s9 =	sor.u32 $0xD0000000, s2;
	s6 =	simm.s32 $0x108;
	_ =	swait.ge @!p0 [sflag:s8], $0x0  }
0x24: {  	s3 =	sadd.s32 $0x88, s3;
	s6 =	simm.s32 @!p1 $0x1082;
	[sflag:s4] =	ssyncset.s32 $0xFFFFF086  }
0x25: {  	[simem:s6], [sflag:s4] =	dma.local [hbm:s3], $0xF7A  }
0x26: {  	[smem:$0x3F9B] =	sst s1;
	(tag) =	ssettag s2;
	_ =	strace s9  }
0x27: {  	s1 =	sld [smem:$0x3FAB]  }
0x28: {  	s2 =	sld [smem:$0x3FAC]  }
0x29: {  	s4 =	sld [smem:$0x3FAE]  }
0x2a: {  	p0 =	seq.s32 s5, $0x0;
	s5 =	sld [smem:$0x3FAF]  }
0x2b: {  	s6 =	sld [smem:$0x3FB0]  }
0x2c: {  	s7 =	sld [smem:$0x3FB1]  }
0x2d: {  	s3 =	simm.s32 $0x108;
	s8 =	sld [smem:$0x3FB2]  }
0x2e: {  	s3 =	simm.s32 @!p0 $0x1082;
	s9 =	sld [smem:$0x3FB3]  }
0x2f: {  	lr =	sadd.s32 s0, s3;
	s0 =	sld [smem:$0x3FAA]  }
0x30: {  	s3 =	sld [smem:$0x3FAD]  }
0x31: {  	[smem:$0x3FB6] =	sst s10  }
0x32: {  	s10 =	sld [smem:$0x3FB4];
	_ =	sdelay $0x3  }
0x33: {  	p0 =	seq.s32 s10, $0x1;
	s10 =	sld [smem:$0x3FB6];
	_ =	sdelay $0x3  }
0x34: {  	[smem:$0x3FB6] =	sst s10  }
0x35: {  	s10 =	sld [smem:$0x3FB5];
	_ =	sdelay $0x3  }
0x36: {  	p1 =	seq.s32 s10, $0x1;
	s10 =	sld [smem:$0x3FB6];
	_ =	sdelay $0x3  }
0x37: {  	[smem:$0x3FB6] =	sst s10  }
0x38: {  	s10 =	sld [smem:$0x3FB7]  }
0x39: {  	_ = 	snop;
	(pc) =	sbr.ind lr, $3  }
0x3a: {  	_ = 	snop  }
0x3b: {  	_ = 	snop  }
0x3c: {  	p2 =	seq.s32 s10, $0x1;
	s10 =	sld [smem:$0x3FB6]  }
0x3d: {  	_ =	shalt  }
0x3e: {  	_ =	shalt  }
0x3f: {  	_ =	shalt  }
0x40: {  	_ =	shalt  }
0x41: {  	_ =	shalt  }
0x42: {  	_ =	shalt  }
0x43: {  	_ =	shalt  }
0x44: {  	_ =	shalt  }
0x45: {  	_ =	shalt  }
0x46: {  	_ =	shalt  }
0x47: {  	_ =	shalt  }
0x48: {  	_ =	shalt  }
0x49: {  	_ =	shalt  }
0x4a: {  	_ =	shalt  }
0x4b: {  	_ =	shalt  }
0x4c: {  	_ =	shalt  }
0x4d: {  	_ =	shalt  }
0x4e: {  	_ =	shalt  }
0x4f: {  	_ =	shalt  }
0x50: {  	_ =	shalt  }
0x51: {  	_ =	shalt  }
0x52: {  	_ =	shalt  }
0x53: {  	_ =	shalt  }
0x54: {  	_ =	shalt  }
0x55: {  	_ =	shalt  }
0x56: {  	_ =	shalt  }
0x57: {  	_ =	shalt  }
0x58: {  	_ =	shalt  }
0x59: {  	_ =	shalt  }
0x5a: {  	_ =	shalt  }
0x5b: {  	_ =	shalt  }
0x5c: {  	_ =	shalt  }
0x5d: {  	_ =	shalt  }
0x5e: {  	_ =	shalt  }
0x5f: {  	_ =	shalt  }
0x60: {  	_ =	shalt  }
0x61: {  	_ =	shalt  }
0x62: {  	_ =	shalt  }
0x63: {  	_ =	shalt  }
0x64: {  	_ =	shalt  }
0x65: {  	_ =	shalt  }
0x66: {  	_ =	shalt  }
0x67: {  	_ =	shalt  }
0x68: {  	_ =	shalt  }
0x69: {  	_ =	shalt  }
0x6a: {  	_ =	shalt  }
0x6b: {  	_ =	shalt  }
0x6c: {  	_ =	shalt  }
0x6d: {  	_ =	shalt  }
0x6e: {  	_ =	shalt  }
0x6f: {  	_ =	shalt  }
0x70: {  	_ =	shalt  }
0x71: {  	_ =	shalt  }
0x72: {  	_ =	shalt  }
0x73: {  	_ =	shalt  }
0x74: {  	_ =	shalt  }
0x75: {  	_ =	shalt  }
0x76: {  	_ =	shalt  }
0x77: {  	_ =	shalt  }
0x78: {  	_ =	shalt  }
0x79: {  	_ =	shalt  }
0x7a: {  	_ =	shalt  }
0x7b: {  	_ =	shalt  }
0x7c: {  	_ =	shalt  }
0x7d: {  	_ =	shalt  }
0x7e: {  	_ =	shalt  }
0x7f: {  	_ =	shalt  }
0x80: {  	_ =	shalt  }
0x81: {  	_ =	shalt  }
0x82: {  	_ =	shalt  }
0x83: {  	_ =	shalt  }
0x84: {  	_ =	shalt  }
0x85: {  	_ =	shalt  }
0x86: {  	_ =	shalt  }
0x87: {  	_ =	shalt  }
.Lfunc_end0:
.L_simem_size_0:
called_computation_lowered:
.L_overlay_start_0:
0x88: {  	s2 =	sld [smem:$0x3FD9]  }
0x89: {  	s3 =	sld [smem:$0x3FFE];
	_ =	sdelay $0x1  }
0x8a: {  	s1 =	srdreg.scid  }
0x8b: {  	s0 =	sand.u32 $0x1, s1  }
0x8c: {  	s17 =	sshll.u32 s0, $0xA;
	s2 =	sadd.s32 s3, s2  }
0x8d: {  	s2 =	sadd.s32 s2, s17  }
0x8e: {  	[smem:$0x3FC2] =	sst s2  }
0x8f: {  	_ = 	snop  }
0x90: {  	s2 =	sld [smem:$0x3FD0];
	(tm) =	ssettm $0x1  }
0x91: {  	s18 =	sld [smem:$0x3FFB];
	_ =	sdelay $0x3  }
0x92: {  	_ =	strace s18  }
0x93: {  	s3 =	sld [smem:$0x3FFC];
	_ =	sdelay $0x3  }
0x94: {  	_ =	strace s3  }
0x95: {  	s3 =	sld [smem:$0x3FFD];
	_ =	sdelay $0x3  }
0x96: {  	_ =	strace s3  }
0x97: {  	_ =	strace $0x8FFFFFFF  }
0x98: {  	s19 =	sld [smem:$0x3FDB];
	_ =	sdelay $0x1  }
0x99: {  	s4 =	simm.s32 $_scs_section_size  }
0x9a: {  	s5 =	simm.s32 $_size__tile_overlayer_lowered;
	s6 =	simm.s32 $_tile_overlayer_lowered  }
0x9b: {  	s22 =	simm.s32 $0x1BFF;
	s21 =	sshll.u32 s6, $0x1;
	s3 =	sadd.s32 s4, s19  }
0x9c: {  	s7 =	simm.s32 $0x0;
	s20 =	sshll.u32 s5, $0x1;
	s5 =	sadd.s32 s21, s3  }
0x9d: {  	[timem:s7], [sflag:s22] =	dma.local [hbm:s5], s20  }
0x9e: {  	_ =	swait.ge [sflag:s22], s20  }
0x9f: {  	s4 =	ssub.s32 $0x0, s20;
	[sflag:s22] =	ssyncset.done $0x0  }
0xa0: {  	[sflag:s22] =	ssyncadd.s32 s4;
	_ =	sdelay $0x1  }
0xa1: {  	s23 =	simm.s32 $0x1B8B  }
0xa2: {  	_ =	swait.ge [sflag:s23], $0x1  }
0xa3: {  	[sflag:s23] =	ssyncset.done $0x0  }
0xa4: {  	s25 =	simm.s32 $0x1B8E;
	s24 =	sld [smem:$0x3FFE];
	[sflag:s23] =	ssyncadd.s32 $0xFFFFFFFF  }
0xa5: {  	s26 =	simm.s32 $execute0_lowered;
	[smem:$0x3FD2] =	sst s25  }
0xa6: {  	s5 =	sshll.u32 s26, $0x1;
	_ =	strace $0x80000046;
	[dreg:$0x1] =	wrdreg $0xFFFFFFFF  }
0xa7: {  	s28 =	simm.s32 $_size_execute0_lowered;
	s3 =	sadd.s32 s3, s5;
	[dreg:$0x0] =	wrdreg $0x0  }
0xa8: {  	s5 =	sshll.u32 s28, $0x1;
	[dreg:$0x2] =	wrdreg s3  }
0xa9: {  	[dreg:$0x3] =	wrdreg s5  }
0xaa: {  	[dreg:$0x4] =	wrdreg $0xC0  }
0xab: {  	_ =	task [dreg:s7], $0x5FFFF  }
0xac: {  	[dreg:$0x1] =	wrdreg $0xFFFFFFFF  }
0xad: {  	[dreg:$0x0] =	wrdreg $0x60  }
0xae: {  	[dreg:$0x2] =	wrdreg s24  }
0xaf: {  	[dreg:$0x3] =	wrdreg s2  }
0xb0: {  	[dreg:$0x4] =	wrdreg $0x0  }
0xb1: {  	[dreg:$0x5] =	wrdreg $0x9  }
0xb2: {  	_ =	task.clear_ibuf [dreg:s7], $0x6FFFF;
	_ =	strace $0x90000046  }
0xb3: {  	s29 =	simm.s32 $0x9;
	_ =	strace $0x80000048  }
0xb4: {  	_ =	swait.ge [sflag:s29], $0x1  }
0xb5: {  	[sflag:s29] =	ssyncadd.s32 $0xFFFFFFFF  }
0xb6: {  	_ =	strace $0x90000048  }
0xb7: {  	_ =	sfence  }
0xb8: {  	s30 =	sld [smem:$0x0];
	_ =	sdelay $0x2  }
0xb9: {  	s31 =	sshll.u32 s1, $0xD;
	s1 =	sshrl.u32 s1, $0x2  }
0xba: {  	s3 =	sand.u32 $0x4000, s31;
	s1 =	sadd.s32 s1, s30  }
0xbb: {  	s0 =	sor.u32 s3, s0;
	s1 =	sshll.u32 s1, $0x11  }
0xbc: {  	s0 =	sor.u32 s1, s0  }
0xbd: {  	s0 =	sadd.s32 $0x8F2B, s0  }
0xbe: {  	[sflag:s0] =	ssyncadd.remote.s32 $0x1  }
0xbf: {  	_ =	sfence.sel $0xFFFF  }
0xc0: {  	[dreg:$0x0] =	wrdreg $0xFFFFFFFF;
	(pc) =	sbr.abs _section_cstart, $3  }
0xc1: {  	[dreg:$0x1] =	wrdreg $0xFFFFFFFF  }
0xc2: {  	_ =	task.clear_ibuf [dreg:s7], $0x2FFFF;
	_ =	strace $0x9FFFFFFF  }
0xc3: {  	(tm) =	ssettm $0x7FFFFFFF  }
tec
execute0_lowered:
.L_overlay_start_1:
0x0: {  	(tag) =	ssettag $0x1  }
0x1: {  	s4 =	rddreg [dreg:$0x0]  }
0x2: {  	s0 =	srdreg.scid;
	s7 =	rddreg [dreg:$0x1]  }
0x3: {  	s2 =	rddreg [dreg:$0x2];
	s1 =	stileid.u32  }
0x4: {  	s3 =	simm.s32 $0x0;
	s5 =	sand.u32 $0x1, s0;
	s0 =	rddreg [dreg:$0x3]  }
0x5: {  	s13 =	simm.s32 $0x5280;
	s16 =	simm.s32 $0x0;
	[smem:$0x7FF] =	sst s3  }
0x6: {  	s10 =	sadd.s32 $0x2400, s4;
	s11 =	smul.u32 $0x280, s1;
	s14 =	sshll.u32 s1, $0x6  }
0x7: {  	s6 =	sshll.u32 s5, $0x4;
	_ =	strace $0x80000047;
	s29 =	ssub.s32 $0x2, s5  }
0x8: {  	s5 =	smul.u32 $0x2800, s5;
	s14 =	sor.u32 $0x1C01, s14;
	s9 =	sor.u32 s1, s6  }
0x9: {  	s30 =	sshrl.u32 s29, $0x1;
	s4 =	sadd.s32 s11, s2;
	s6 =	smul.u32 $0x14, s9  }
0xa: {  	s8 =	smax.u32 s9, $0x11;
	s11 =	sadd.s32 s11, s5;
	p0 =	sgt.u32 s9, $0x10  }
0xb: {  	s9 =	simm.s32 $0x5300;
	s15 =	sshrl.u32 s4, $0x3;
	s6 =	ssub.s32 s6, s8  }
0xc: {  	s31 =	sshrl.u32 s11, $0x3;
	s11 =	simm.s32 $0x280;
	s6 =	sadd.s32 $0x11, s6  }
0xd: {  	s8 =	ssub.s32 s29, s30;
	s12 =	sshll.u32 s6, $0xA;
	s6 =	sshll.u32 s6, $0x7  }
0xe: {  	s7 =	sadd.s32 s7, s31;
	s12 =	sadd.s32 $0x4C00, s12;
	s6 =	sand.u32 $0x1FFFFF80, s6  }
0xf: {  	s8 =	smax.u32 s8, $0x1;
	s12 =	sshrl.u32 s12, $0x3;
	s5 =	sadd.s32 s10, s6  }
0x10: {  	v0 =	vimm.f32 $1.000000000e+00;
	v1 =	vimm.f32 $0.0e+00;
	s6 =	sadd.s32 s10, s12;
	s10 =	simm.s32 $0x1;
	s12 =	simm.s32 $0x40  }
.LBB2_1:
0x11: {  	[tilespmem:$0x5280] =	vst v0  }
0x12: {  	[tilespmem:$0x5290] =	vst v0  }
0x13: {  	[tilespmem:$0x52A0] =	vst v0  }
0x14: {  	[tilespmem:$0x52B0] =	vst v0  }
0x15: {  	[tilespmem:$0x5300] =	vst v1  }
0x16: {  	[tilespmem:$0x5310] =	vst v1  }
0x17: {  	[tilespmem:$0x5320] =	vst v1  }
0x18: {  	[tilespmem:$0x5330] =	vst v1  }
0x19: {  	[tilespmem:$0x5340] =	vst v1  }
0x1a: {  	[tilespmem:$0x5350] =	vst v1  }
0x1b: {  	[tilespmem:$0x5360] =	vst v1  }
0x1c: {  	[tilespmem:$0x5370] =	vst v1  }
0x1d: {  	[tilespmem:$0x5380] =	vst v1  }
0x1e: {  	[tilespmem:$0x5390] =	vst v1  }
0x1f: {  	[tilespmem:$0x53A0] =	vst v1  }
0x20: {  	[tilespmem:$0x53B0] =	vst v1  }
0x21: {  	[tilespmem:$0x53C0] =	vst v1  }
0x22: {  	[tilespmem:$0x53D0] =	vst v1  }
0x23: {  	[tilespmem:$0x53E0] =	vst v1  }
0x24: {  	[tilespmem:$0x53F0] =	vst v1  }
0x25: {  	[tilespmem:$0x5400] =	vst v1  }
0x26: {  	[tilespmem:$0x5410] =	vst v1  }
0x27: {  	[tilespmem:$0x5420] =	vst v1  }
0x28: {  	[tilespmem:$0x5430] =	vst v1  }
0x29: {  	[tilespmem:$0x5440] =	vst v1  }
0x2a: {  	[tilespmem:$0x5450] =	vst v1  }
0x2b: {  	[tilespmem:$0x5460] =	vst v1  }
0x2c: {  	[tilespmem:$0x5470] =	vst v1  }
0x2d: {  	[tilespmem:$0x5480] =	vst v1  }
0x2e: {  	[tilespmem:$0x5490] =	vst v1  }
0x2f: {  	[tilespmem:$0x54A0] =	vst v1  }
0x30: {  	[tilespmem:$0x54B0] =	vst v1  }
0x31: {  	[tilespmem:$0x54C0] =	vst v1  }
0x32: {  	[tilespmem:$0x54D0] =	vst v1  }
0x33: {  	[tilespmem:$0x54E0] =	vst v1  }
0x34: {  	[tilespmem:$0x54F0] =	vst v1  }
0x35: {  	[tilespmem:$0x5500] =	vst v1  }
0x36: {  	[tilespmem:$0x5510] =	vst v1  }
0x37: {  	[tilespmem:$0x5520] =	vst v1  }
0x38: {  	[tilespmem:$0x5530] =	vst v1  }
0x39: {  	[tilespmem:$0x5540] =	vst v1  }
0x3a: {  	[tilespmem:$0x5550] =	vst v1  }
0x3b: {  	[tilespmem:$0x5560] =	vst v1  }
0x3c: {  	[tilespmem:$0x5570] =	vst v1  }
0x3d: {  	[spmem:s4] =	stream.linear.scatter [tilespmem:s9], [sflag:$0x1], $0x280, $0x38;
	[tilespmem:$0x5580] =	vst v63  }
0x3e: {  	_ =	swait.ge [sflag:s10], $0x280  }
0x3f: {  	[sflag:s10] =	ssyncset.done $0x0  }
0x40: {  	[sflag:s10] =	ssyncadd.s32 $0xFFFFFD80  }
0x41: {  	[tilespmem:s11], [sflag:$0x1] =	stream.linear.gather [hbm4b:s5+s3], $0x4C00, $0x38;
	[tilespmem:$0x5580] =	vst v63  }
0x42: {  	_ =	swait.ge [sflag:s10], $0x4C00  }
0x43: {  	[sflag:s10] =	ssyncset.done $0x0  }
0x44: {  	s17 =	simm.s32 @!p0 $0x0;
	s18 =	simm.s32 @!p0 $0x4E80;
	[sflag:s10] =	ssyncadd.s32 $0xFFFFB400  }
0x45: {  	[tilespmem:s18], [sflag:$0x1] =	stream.linear.gather @!p0 [hbm4b:s6+s17], $0x400, $0x38;
	[tilespmem:$0x5580] =	vst v63  }
0x46: {  	s17 =	simm.s32 @!p0 $0x1  }
0x47: {  	_ =	swait.ge @!p0 [sflag:s17], $0x400  }
0x48: {  	[sflag:s17] =	ssyncset.done @!p0 $0x0  }
0x49: {  	[sflag:s17] =	ssyncadd.s32 @!p0 $0xFFFFFC00;
	s17 =	simm.s32 @!p0 $0xA0  }
0x4a: {  	s17 =	simm.s32 @p0 $0x98  }
0x4b: {  	p1 =	sne.s32 s17, $0x1  }
.Ltmp0:
0x4c: {  	_ = 	snop;
	(pc) =	sbr.rel @!p1 .LBB2_3-.Ltmp0, $4  }
0x4d: {  	[bflag:$0x0] =	sbarrier.arrive $0xFFFF  }
0x4e: {  	[spmem:s2] =	stream.indirect.scatter.add.f32 [tilespmem:s13], [sflag:$0x1], $0x1, s11, s12, $0xb8;
	[tilespmem:$0x5580] =	vst v63  }
0x4f: {  	_ =	swait.ge [sflag:s10], $0x40  }
0x50: {  	s18 =	simm.s32 $0x280;
	s17 =	sadd.s32 $0xFFFFFFFF, s17;
	[sflag:s10] =	ssyncset.done $0x0  }
.LBB2_2:
0x51: {  	p1 =	sne.s32 s17, $0x1;
	[sflag:s10] =	ssyncadd.s32 $0xFFFFFFC0;
	s18 =	sadd.s32 $0x80, s18  }
.Ltmp1:
0x52: {  	s17 =	sadd.s32 $0xFFFFFFFF, s17;
	(pc) =	sbr.rel @p1 .LBB2_2-.Ltmp1, $4  }
0x53: {  	_ = 	snop  }
0x54: {  	[spmem:s2] =	stream.indirect.scatter.add.f32 [tilespmem:s13], [sflag:$0x1], $0x1, s18, s12, $0xb8;
	[tilespmem:$0x5580] =	vst v63  }
0x55: {  	_ =	swait.ge [sflag:s10], $0x40  }
0x56: {  	[sflag:s10] =	ssyncset.done $0x0  }
.LBB2_3:
0x57: {  	s16 =	sadd.s32 $0x1, s16  }
0x58: {  	[sflag:s10] =	ssyncadd.s32 $0xFFFFFFC0;
	p1 =	sne.s32 s16, s8  }
.Ltmp2:
0x59: {  	[bflag:$0x0] =	sbarrier.arrive $0xFFFF;
	(pc) =	sbr.rel @p1 .LBB2_1-.Ltmp2, $4  }
0x5a: {  	[hbm:s7], [sflag:s14] =	dma.local [spmem:s15], $0x50  }
0x5b: {  	_ =	swait.ge [sflag:s10], $0x50  }
0x5c: {  	[sflag:s10] =	ssyncset.done $0x0  }
0x5d: {  	[sflag:s10] =	ssyncadd.s32 $0xFFFFFFB0  }
0x5e: {  	_ =	sfence.sel $0x180000  }
0x5f: {  	[bflag:$0x0] =	sbarrier.arrive $0xFFFF  }
0x60: {  	p0 =	sne.s32 s1, $0x0;
	_ =	strace $0x90000047  }
0x61: {  	s0 =	sadd.s32 @!p0 $0x100000, s0;
	[bflag:$0x2] =	sbarrier.arrive $0xFFFF  }
0x62: {  	[sflag:s0] =	ssyncadd.tile.s32 @!p0 $0x1;
	_ =	shalt  }
.Lfunc_end2:
_tile_overlayer_lowered:
.L_overlay_start_2:
0x63: {  	(tag) =	ssettag $0x2  }
0x64: {  	s0 =	rddreg [dreg:$0x0];
	s2 =	stileid.u32  }
0x65: {  	s1 =	rddreg [dreg:$0x1];
	p0 =	sne.s32 s2, $0x0  }
0x66: {  	s3 =	rddreg [dreg:$0x2];
	[bflag:$0x3] =	sbarrier.arrive $0xFFFF;
	s2 =	simm.s32 @!p0 $0x1C01  }
0x67: {  	[timem:s3], [sflag:s2] =	dma.local @!p0 [hbm:s0], s1  }
0x68: {  	s0 =	simm.s32 @!p0 $0x1  }
0x69: {  	_ =	swait.ge @!p0 [sflag:s0], s1  }
0x6a: {  	s1 =	ssub.s32 @!p0 $0x0, s1;
	[sflag:s0] =	ssyncset.done @!p0 $0x0  }
0x6b: {  	[sflag:s0] =	ssyncadd.s32 @!p0 s1  }
0x6c: {  	[bflag:$0x3] =	sbarrier.arrive $0xFFFF  }
0x6d: {  	_ =	shalt  }

</sc_bundles>
